<compile_context>
chip_gen: v7x
topology: tpu7x:2x2x1
jax: 0.10.2.dev20260603
libtpu: 0.0.44.dev20260713+nightly
codegen_flags: <defaults>
</compile_context>

<pallas_src>
import functools

import jax
import jax.numpy as jnp
from jax import lax
from jax.experimental import pallas as pl
from jax.experimental.pallas import tpu as pltpu
from jax.experimental.pallas import tpu_sc as plsc

F = 26
V = 100000
D = 32
P = 128
B = 16384

NC = 2
NS = 16
NW = NC * NS
ROWS = B * F
RPW = ROWS // NW
IPS = 128
NSTR = RPW // IPS
SPC = 4
CH = SPC * IPS
NCH = NSTR // SPC


def _sc_gather(tab_hbm, idx_hbm):
    mesh = plsc.VectorSubcoreMesh(core_axis_name="c", subcore_axis_name="s")

    @functools.partial(
        pl.kernel,
        mesh=mesh,
        out_type=jax.ShapeDtypeStruct((ROWS, D), jnp.float32),
        compiler_params=pltpu.CompilerParams(use_tc_tiling_on_sc=False),
        scratch_types=[
            pltpu.VMEM((NSTR, IPS), jnp.int32),
            pltpu.VMEM((CH, D), jnp.float32),
            pltpu.VMEM((CH, D), jnp.float32),
            pltpu.SemaphoreType.DMA,
            pltpu.SemaphoreType.DMA,
        ],
    )
    def k(tab, idx, out, idx_v, buf0, buf1, gsem0, gsem1):
        wid = lax.axis_index("s") * NC + lax.axis_index("c")
        pltpu.sync_copy(idx.at[wid], idx_v)
        row_base = wid * RPW

        bufs = (buf0, buf1)
        sems = (gsem0, gsem1)

        def fire(c, slot):
            for s in range(SPC):
                pltpu.async_copy(
                    tab.at[idx_v.at[c * SPC + s]],
                    bufs[slot].at[pl.ds(s * IPS, IPS)],
                    sems[slot],
                )

        def drain_and_store(c, slot):
            for s in range(SPC):
                pltpu.make_async_copy(
                    tab.at[idx_v.at[c * SPC + s]],
                    bufs[slot].at[pl.ds(s * IPS, IPS)],
                    sems[slot],
                ).wait()
            pltpu.sync_copy(bufs[slot], out.at[pl.ds(row_base + c * CH, CH)])

        fire(0, 0)

        def body(g, _):
            fire(g + 1, 1)
            drain_and_store(g, 0)

            @pl.when(g + 2 < NCH)
            def _():
                fire(g + 2, 0)

            drain_and_store(g + 1, 1)
            return 0

        lax.fori_loop(0, NCH // 2, lambda i, c: body(2 * i, c), 0)

    return k(tab_hbm, idx_hbm)


def _tc_body(x_ref, s_ref, e_ref, g_ref, bt_ref, w1_ref, b1_ref, w2_ref,
             b2_ref, o_ref):
    x = x_ref[...]
    xb = x.astype(jnp.bfloat16)
    s_m = s_ref[...]
    e_m = e_ref[...]
    s1 = jnp.dot(xb, s_m, preferred_element_type=jnp.float32)
    s2 = jnp.dot((x * x).astype(jnp.bfloat16), s_m,
                 preferred_element_type=jnp.float32)
    mu = jnp.dot(s1.astype(jnp.bfloat16), e_m,
                 preferred_element_type=jnp.float32)
    m2 = jnp.dot(s2.astype(jnp.bfloat16), e_m,
                 preferred_element_type=jnp.float32)
    var = m2 - mu * mu
    h = (x - mu) * lax.rsqrt(var + 1e-5)
    h = h * g_ref[...] + bt_ref[...]
    t = jnp.dot(h.astype(jnp.bfloat16), w1_ref[...],
                preferred_element_type=jnp.float32) + b1_ref[...]
    u = 0.5 * t * (1.0 + lax.erf(t * 0.7071067811865476))
    o_ref[...] = jnp.dot(u.astype(jnp.bfloat16), w2_ref[...],
                         preferred_element_type=jnp.float32) + b2_ref[...]


def _tc_mlp(emb, s_m, e_m, gamma, beta, w1, b1, w2, b2, interpret=False):
    BT = 256
    grid = (B // BT,)
    fd = F * D
    return pl.pallas_call(
        _tc_body,
        grid=grid,
        in_specs=[
            pl.BlockSpec((BT, fd), lambda i: (i, 0)),
            pl.BlockSpec((fd, 128), lambda i: (0, 0)),
            pl.BlockSpec((128, fd), lambda i: (0, 0)),
            pl.BlockSpec((1, fd), lambda i: (0, 0)),
            pl.BlockSpec((1, fd), lambda i: (0, 0)),
            pl.BlockSpec((fd, P), lambda i: (0, 0)),
            pl.BlockSpec((1, P), lambda i: (0, 0)),
            pl.BlockSpec((P, P), lambda i: (0, 0)),
            pl.BlockSpec((1, P), lambda i: (0, 0)),
        ],
        out_specs=pl.BlockSpec((BT, P), lambda i: (i, 0)),
        out_shape=jax.ShapeDtypeStruct((B, P), jnp.float32),
        interpret=interpret,
    )(emb, s_m, e_m, gamma, beta, w1, b1, w2, b2)


def _stats_mats():
    fd = F * D
    fid = jnp.arange(fd, dtype=jnp.int32) // D
    cols = jnp.arange(128, dtype=jnp.int32)
    s_m = jnp.where(fid[:, None] == cols[None, :], 1.0 / D, 0.0)
    e_m = jnp.where(cols[:, None] == fid[None, :], 1.0, 0.0)
    return s_m.astype(jnp.bfloat16), e_m.astype(jnp.bfloat16)


def kernel(x_cat, tables, ln_gamma, ln_beta, W1, b1, W2, b2):
    flat_idx = x_cat + (jnp.arange(F, dtype=jnp.int32) * V)[None, :]
    idx = flat_idx.reshape(NW, NSTR, IPS)
    tab2 = tables.reshape(F * V, D)
    emb = _sc_gather(tab2, idx).reshape(B, F * D)
    s_m, e_m = _stats_mats()
    return _tc_mlp(
        emb, s_m, e_m,
        ln_gamma.reshape(1, F * D), ln_beta.reshape(1, F * D),
        W1.astype(jnp.bfloat16), b1.reshape(1, P),
        W2.astype(jnp.bfloat16), b2.reshape(1, P),
    )

# --- scband reference (transcript-rebuilt; emitter-appended) ---
"""Pipeline reference for scband-cat-embeddings-42734924595913 (READ-ONLY COPY).

The authoritative reference and input builder live on the scoring server;
editing this copy changes nothing except your own understanding.
"""

import jax, jax.numpy as jnp
import numpy as np

F = 26        # number of categorical fields
V = 100000    # cardinality per field
D = 32        # embedding dim per field (min(max_embedding_dim, cardinality))
P = 128       # projection_dim
B = 16384     # batch


def setup_inputs(seed: int = 0) -> dict:
    key = jax.random.key(seed)
    ks = jax.random.split(key, 8)
    x_cat = jax.random.randint(ks[0], (B, F), 0, V, dtype=jnp.int32)
    # Stacked embedding tables: all fields share cardinality V and dim D,
    # so the F separate nn.Embedding tables are stored as one [F, V, D] array.
    tables = jax.random.normal(ks[1], (F, V, D), dtype=jnp.float32)
    # Per-field LayerNorm affine params (torch default init: gamma=1, beta=0)
    ln_gamma = jnp.ones((F, D), dtype=jnp.float32)
    ln_beta = jnp.zeros((F, D), dtype=jnp.float32)
    # Projection MLP: Linear(F*D -> P), GELU, Linear(P -> P)
    W1 = jax.random.normal(ks[2], (F * D, P), dtype=jnp.float32) * 0.02
    b1 = jnp.zeros((P,), dtype=jnp.float32)
    W2 = jax.random.normal(ks[3], (P, P), dtype=jnp.float32) * 0.02
    b2 = jnp.zeros((P,), dtype=jnp.float32)
    return {"x_cat": x_cat, "tables": tables, "ln_gamma": ln_gamma,
            "ln_beta": ln_beta, "W1": W1, "b1": b1, "W2": W2, "b2": b2}


def reference(x_cat, tables, ln_gamma, ln_beta, W1, b1, W2, b2):
    # Per-field embedding lookup: emb[b, f] = tables[f, x_cat[b, f]]
    emb = tables[jnp.arange(F)[None, :], x_cat]  # [B, F, D]
    # Per-field LayerNorm over the last dim (eps=1e-5, biased variance)
    mu = jnp.mean(emb, axis=-1, keepdims=True)
    var = jnp.mean((emb - mu) ** 2, axis=-1, keepdims=True)
    h = (emb - mu) / jnp.sqrt(var + 1e-5)
    h = h * ln_gamma[None, :, :] + ln_beta[None, :, :]
    # Concatenate fields -> [B, F*D]
    h = h.reshape(B, F * D)
    # Projection: Linear -> exact GELU -> Linear
    h = h @ W1 + b1
    h = jax.nn.gelu(h, approximate=False)
    out = h @ W2 + b2
    return out

if __name__ == "__main__":
    import jax
    _d = setup_inputs()
    print(jax.jit(kernel)(*tuple(_d.values())))

</pallas_src>

<mosaic_0001>
#map = affine_map<(d0, d1) -> (0, 0)>
#map1 = affine_map<(d0, d1) -> (0, 0, 0)>
module attributes {stable_mosaic.version = 14 : i64} {
  func.func @k(%arg0: i32, %arg1: i32, %arg2: memref<2600000x32xf32, #tpu.memory_space<hbm>>, %arg3: memref<32x104x128xi32, #tpu.memory_space<hbm>>, %arg4: memref<425984x32xf32, #tpu.memory_space<hbm>>, %arg5: memref<104x128xi32, #tpu.memory_space<vmem>>, %arg6: memref<512x32xf32, #tpu.memory_space<vmem>>, %arg7: memref<512x32xf32, #tpu.memory_space<vmem>>, %arg8: memref<!tpu.dma_semaphore, #tpu.memory_space<semaphore_mem>>, %arg9: memref<!tpu.dma_semaphore, #tpu.memory_space<semaphore_mem>>) attributes {dimension_semantics = [#tpu.dimension_semantics<core_parallel>, #tpu.dimension_semantics<subcore_parallel>], iteration_bounds = array<i64: 2, 16>, scalar_prefetch = 0 : i64, scratch_operands = 5 : i64, tpu.core_type = #tpu.core_type<sc_vector_subcore>, window_params = [{transform_indices = #map}, {transform_indices = #map1}, {transform_indices = #map}]} {
    %mul3A = arith.constant 2 : i32
    %mul3A_0 = arith.muli %arg1, %mul3A : i32
    %add3A = arith.addi %mul3A_0, %arg0 : i32
    "tpu.region"() ({
      %run_scoped3A = tpu.sem_alloc : memref<!tpu.dma_semaphore, #tpu.memory_space<semaphore_mem>>
      %dma_start3A_48 = arith.constant 0 : i32
      %dma_start3A_49 = arith.constant 0 : i32
      %dma_start3A_50 = tpu.memref_slice %arg3[%add3A, %dma_start3A_48, %dma_start3A_49] : memref<32x104x128xi32, #tpu.memory_space<hbm>> -> memref<1x104x128xi32, #tpu.memory_space<hbm>>
      %dma_start3A_51 = tpu.memref_squeeze %dma_start3A_50 : memref<1x104x128xi32, #tpu.memory_space<hbm>> -> memref<104x128xi32, #tpu.memory_space<hbm>>
      %dma_start3A_52 = arith.constant 0 : i32
      %dma_start3A_53 = arith.constant 0 : i32
      %dma_start3A_54 = tpu.memref_slice %arg3[%add3A, %dma_start3A_52, %dma_start3A_53] : memref<32x104x128xi32, #tpu.memory_space<hbm>> -> memref<1x104x128xi32, #tpu.memory_space<hbm>>
      %dma_start3A_55 = tpu.memref_squeeze %dma_start3A_54 : memref<1x104x128xi32, #tpu.memory_space<hbm>> -> memref<104x128xi32, #tpu.memory_space<hbm>>
      tpu.enqueue_dma source(%dma_start3A_55 : memref<104x128xi32, #tpu.memory_space<hbm>>) target(%arg5 : memref<104x128xi32, #tpu.memory_space<vmem>>) target_semaphore(%run_scoped3A : memref<!tpu.dma_semaphore, #tpu.memory_space<semaphore_mem>>)
      %dma_wait3A = arith.constant 0 : i32
      %dma_wait3A_56 = arith.constant 0 : i32
      %dma_wait3A_57 = tpu.memref_slice %arg3[%add3A, %dma_wait3A, %dma_wait3A_56] : memref<32x104x128xi32, #tpu.memory_space<hbm>> -> memref<1x104x128xi32, #tpu.memory_space<hbm>>
      %dma_wait3A_58 = tpu.memref_squeeze %dma_wait3A_57 : memref<1x104x128xi32, #tpu.memory_space<hbm>> -> memref<104x128xi32, #tpu.memory_space<hbm>>
      %dma_wait3A_59 = arith.constant 0 : i32
      %dma_wait3A_60 = arith.constant 0 : i32
      %dma_wait3A_61 = tpu.memref_slice %arg3[%add3A, %dma_wait3A_59, %dma_wait3A_60] : memref<32x104x128xi32, #tpu.memory_space<hbm>> -> memref<1x104x128xi32, #tpu.memory_space<hbm>>
      %dma_wait3A_62 = tpu.memref_squeeze %dma_wait3A_61 : memref<1x104x128xi32, #tpu.memory_space<hbm>> -> memref<104x128xi32, #tpu.memory_space<hbm>>
      tpu.wait_dma2 semaphore(%run_scoped3A : memref<!tpu.dma_semaphore, #tpu.memory_space<semaphore_mem>>) src(%dma_wait3A_62 : memref<104x128xi32, #tpu.memory_space<hbm>>) dst(%arg5 : memref<104x128xi32, #tpu.memory_space<vmem>>)
      tpu.yield
    }) : () -> ()
    %mul3A_1 = arith.constant 13312 : i32
    %mul3A_2 = arith.muli %add3A, %mul3A_1 : i32
    %dma_start3A = arith.constant 0 : i32
    %dma_start3A_3 = arith.constant 0 : i32
    %dma_start3A_4 = arith.constant 0 : i32
    %dma_start3A_5 = tpu.memref_slice %arg6[%dma_start3A_3, %dma_start3A_4] : memref<512x32xf32, #tpu.memory_space<vmem>> -> memref<128x32xf32, #tpu.memory_space<vmem>>
    %dma_start3A_6 = arith.constant 0 : i32
    %dma_start3A_7 = tpu.memref_slice %arg5[%dma_start3A, %dma_start3A_6] : memref<104x128xi32, #tpu.memory_space<vmem>> -> memref<1x128xi32, #tpu.memory_space<vmem>>
    %dma_start3A_8 = tpu.memref_squeeze %dma_start3A_7 : memref<1x128xi32, #tpu.memory_space<vmem>> -> memref<128xi32, #tpu.memory_space<vmem>>
    %dma_start3A_9 = arith.constant 0 : i32
    %dma_start3A_10 = arith.constant 0 : i32
    %dma_start3A_11 = tpu.memref_slice %arg2[%dma_start3A_9, %dma_start3A_10] : memref<2600000x32xf32, #tpu.memory_space<hbm>> -> memref<2600000x32xf32, #tpu.memory_space<hbm>>
    tpu.enqueue_indirect_dma source(%dma_start3A_11 : memref<2600000x32xf32, #tpu.memory_space<hbm>>) target(%dma_start3A_5 : memref<128x32xf32, #tpu.memory_space<vmem>>) offsets(%dma_start3A_8 : memref<128xi32, #tpu.memory_space<vmem>>) semaphore(%arg8 : memref<!tpu.dma_semaphore, #tpu.memory_space<semaphore_mem>>)
    %dma_start3A_12 = arith.constant 1 : i32
    %dma_start3A_13 = arith.constant 128 : i32
    %dma_start3A_14 = arith.constant 0 : i32
    %dma_start3A_15 = tpu.memref_slice %arg6[%dma_start3A_13, %dma_start3A_14] : memref<512x32xf32, #tpu.memory_space<vmem>> -> memref<128x32xf32, #tpu.memory_space<vmem>>
    %dma_start3A_16 = arith.constant 0 : i32
    %dma_start3A_17 = tpu.memref_slice %arg5[%dma_start3A_12, %dma_start3A_16] : memref<104x128xi32, #tpu.memory_space<vmem>> -> memref<1x128xi32, #tpu.memory_space<vmem>>
    %dma_start3A_18 = tpu.memref_squeeze %dma_start3A_17 : memref<1x128xi32, #tpu.memory_space<vmem>> -> memref<128xi32, #tpu.memory_space<vmem>>
    %dma_start3A_19 = arith.constant 0 : i32
    %dma_start3A_20 = arith.constant 0 : i32
    %dma_start3A_21 = tpu.memref_slice %arg2[%dma_start3A_19, %dma_start3A_20] : memref<2600000x32xf32, #tpu.memory_space<hbm>> -> memref<2600000x32xf32, #tpu.memory_space<hbm>>
    tpu.enqueue_indirect_dma source(%dma_start3A_21 : memref<2600000x32xf32, #tpu.memory_space<hbm>>) target(%dma_start3A_15 : memref<128x32xf32, #tpu.memory_space<vmem>>) offsets(%dma_start3A_18 : memref<128xi32, #tpu.memory_space<vmem>>) semaphore(%arg8 : memref<!tpu.dma_semaphore, #tpu.memory_space<semaphore_mem>>)
    %dma_start3A_22 = arith.constant 2 : i32
    %dma_start3A_23 = arith.constant 256 : i32
    %dma_start3A_24 = arith.constant 0 : i32
    %dma_start3A_25 = tpu.memref_slice %arg6[%dma_start3A_23, %dma_start3A_24] : memref<512x32xf32, #tpu.memory_space<vmem>> -> memref<128x32xf32, #tpu.memory_space<vmem>>
    %dma_start3A_26 = arith.constant 0 : i32
    %dma_start3A_27 = tpu.memref_slice %arg5[%dma_start3A_22, %dma_start3A_26] : memref<104x128xi32, #tpu.memory_space<vmem>> -> memref<1x128xi32, #tpu.memory_space<vmem>>
    %dma_start3A_28 = tpu.memref_squeeze %dma_start3A_27 : memref<1x128xi32, #tpu.memory_space<vmem>> -> memref<128xi32, #tpu.memory_space<vmem>>
    %dma_start3A_29 = arith.constant 0 : i32
    %dma_start3A_30 = arith.constant 0 : i32
    %dma_start3A_31 = tpu.memref_slice %arg2[%dma_start3A_29, %dma_start3A_30] : memref<2600000x32xf32, #tpu.memory_space<hbm>> -> memref<2600000x32xf32, #tpu.memory_space<hbm>>
    tpu.enqueue_indirect_dma source(%dma_start3A_31 : memref<2600000x32xf32, #tpu.memory_space<hbm>>) target(%dma_start3A_25 : memref<128x32xf32, #tpu.memory_space<vmem>>) offsets(%dma_start3A_28 : memref<128xi32, #tpu.memory_space<vmem>>) semaphore(%arg8 : memref<!tpu.dma_semaphore, #tpu.memory_space<semaphore_mem>>)
    %dma_start3A_32 = arith.constant 3 : i32
    %dma_start3A_33 = arith.constant 384 : i32
    %dma_start3A_34 = arith.constant 0 : i32
    %dma_start3A_35 = tpu.memref_slice %arg6[%dma_start3A_33, %dma_start3A_34] : memref<512x32xf32, #tpu.memory_space<vmem>> -> memref<128x32xf32, #tpu.memory_space<vmem>>
    %dma_start3A_36 = arith.constant 0 : i32
    %dma_start3A_37 = tpu.memref_slice %arg5[%dma_start3A_32, %dma_start3A_36] : memref<104x128xi32, #tpu.memory_space<vmem>> -> memref<1x128xi32, #tpu.memory_space<vmem>>
    %dma_start3A_38 = tpu.memref_squeeze %dma_start3A_37 : memref<1x128xi32, #tpu.memory_space<vmem>> -> memref<128xi32, #tpu.memory_space<vmem>>
    %dma_start3A_39 = arith.constant 0 : i32
    %dma_start3A_40 = arith.constant 0 : i32
    %dma_start3A_41 = tpu.memref_slice %arg2[%dma_start3A_39, %dma_start3A_40] : memref<2600000x32xf32, #tpu.memory_space<hbm>> -> memref<2600000x32xf32, #tpu.memory_space<hbm>>
    tpu.enqueue_indirect_dma source(%dma_start3A_41 : memref<2600000x32xf32, #tpu.memory_space<hbm>>) target(%dma_start3A_35 : memref<128x32xf32, #tpu.memory_space<vmem>>) offsets(%dma_start3A_38 : memref<128xi32, #tpu.memory_space<vmem>>) semaphore(%arg8 : memref<!tpu.dma_semaphore, #tpu.memory_space<semaphore_mem>>)
    %scan3A = arith.constant 0 : i32
    %scan3A_42 = arith.constant 0 : i32
    %scan3A_43 = arith.constant 13 : i32
    %scan3A_44 = arith.addi %scan3A_42, %scan3A_43 : i32
    %scan3A_45 = arith.constant 1 : i32
    %scan3A_46 = scf.for %scan3A_48 = %scan3A_42 to %scan3A_44 step %scan3A_45 iter_args(%scan3A_49 = %scan3A) -> (i32)  : i32 {
      %mul3A_50 = arith.constant 2 : i32
      %mul3A_51 = arith.muli %mul3A_50, %scan3A_48 : i32
      %add3A_52 = arith.constant 1 : i32
      %add3A_53 = arith.addi %mul3A_51, %add3A_52 : i32
      %mul3A_54 = arith.constant 4 : i32
      %mul3A_55 = arith.muli %add3A_53, %mul3A_54 : i32
      %add3A_56 = arith.constant 0 : i32
      %add3A_57 = arith.addi %mul3A_55, %add3A_56 : i32
      %dma_start3A_58 = arith.constant 0 : i32
      %dma_start3A_59 = arith.constant 0 : i32
      %dma_start3A_60 = tpu.memref_slice %arg7[%dma_start3A_58, %dma_start3A_59] : memref<512x32xf32, #tpu.memory_space<vmem>> -> memref<128x32xf32, #tpu.memory_space<vmem>>
      %dma_start3A_61 = arith.constant 0 : i32
      %dma_start3A_62 = tpu.memref_slice %arg5[%add3A_57, %dma_start3A_61] : memref<104x128xi32, #tpu.memory_space<vmem>> -> memref<1x128xi32, #tpu.memory_space<vmem>>
      %dma_start3A_63 = tpu.memref_squeeze %dma_start3A_62 : memref<1x128xi32, #tpu.memory_space<vmem>> -> memref<128xi32, #tpu.memory_space<vmem>>
      %dma_start3A_64 = arith.constant 0 : i32
      %dma_start3A_65 = arith.constant 0 : i32
      %dma_start3A_66 = tpu.memref_slice %arg2[%dma_start3A_64, %dma_start3A_65] : memref<2600000x32xf32, #tpu.memory_space<hbm>> -> memref<2600000x32xf32, #tpu.memory_space<hbm>>
      tpu.enqueue_indirect_dma source(%dma_start3A_66 : memref<2600000x32xf32, #tpu.memory_space<hbm>>) target(%dma_start3A_60 : memref<128x32xf32, #tpu.memory_space<vmem>>) offsets(%dma_start3A_63 : memref<128xi32, #tpu.memory_space<vmem>>) semaphore(%arg9 : memref<!tpu.dma_semaphore, #tpu.memory_space<semaphore_mem>>)
      %mul3A_67 = arith.constant 4 : i32
      %mul3A_68 = arith.muli %add3A_53, %mul3A_67 : i32
      %add3A_69 = arith.constant 1 : i32
      %add3A_70 = arith.addi %mul3A_68, %add3A_69 : i32
      %dma_start3A_71 = arith.constant 128 : i32
      %dma_start3A_72 = arith.constant 0 : i32
      %dma_start3A_73 = tpu.memref_slice %arg7[%dma_start3A_71, %dma_start3A_72] : memref<512x32xf32, #tpu.memory_space<vmem>> -> memref<128x32xf32, #tpu.memory_space<vmem>>
      %dma_start3A_74 = arith.constant 0 : i32
      %dma_start3A_75 = tpu.memref_slice %arg5[%add3A_70, %dma_start3A_74] : memref<104x128xi32, #tpu.memory_space<vmem>> -> memref<1x128xi32, #tpu.memory_space<vmem>>
      %dma_start3A_76 = tpu.memref_squeeze %dma_start3A_75 : memref<1x128xi32, #tpu.memory_space<vmem>> -> memref<128xi32, #tpu.memory_space<vmem>>
      %dma_start3A_77 = arith.constant 0 : i32
      %dma_start3A_78 = arith.constant 0 : i32
      %dma_start3A_79 = tpu.memref_slice %arg2[%dma_start3A_77, %dma_start3A_78] : memref<2600000x32xf32, #tpu.memory_space<hbm>> -> memref<2600000x32xf32, #tpu.memory_space<hbm>>
      tpu.enqueue_indirect_dma source(%dma_start3A_79 : memref<2600000x32xf32, #tpu.memory_space<hbm>>) target(%dma_start3A_73 : memref<128x32xf32, #tpu.memory_space<vmem>>) offsets(%dma_start3A_76 : memref<128xi32, #tpu.memory_space<vmem>>) semaphore(%arg9 : memref<!tpu.dma_semaphore, #tpu.memory_space<semaphore_mem>>)
      %mul3A_80 = arith.constant 4 : i32
      %mul3A_81 = arith.muli %add3A_53, %mul3A_80 : i32
      %add3A_82 = arith.constant 2 : i32
      %add3A_83 = arith.addi %mul3A_81, %add3A_82 : i32
      %dma_start3A_84 = arith.constant 256 : i32
      %dma_start3A_85 = arith.constant 0 : i32
      %dma_start3A_86 = tpu.memref_slice %arg7[%dma_start3A_84, %dma_start3A_85] : memref<512x32xf32, #tpu.memory_space<vmem>> -> memref<128x32xf32, #tpu.memory_space<vmem>>
      %dma_start3A_87 = arith.constant 0 : i32
      %dma_start3A_88 = tpu.memref_slice %arg5[%add3A_83, %dma_start3A_87] : memref<104x128xi32, #tpu.memory_space<vmem>> -> memref<1x128xi32, #tpu.memory_space<vmem>>
      %dma_start3A_89 = tpu.memref_squeeze %dma_start3A_88 : memref<1x128xi32, #tpu.memory_space<vmem>> -> memref<128xi32, #tpu.memory_space<vmem>>
      %dma_start3A_90 = arith.constant 0 : i32
      %dma_start3A_91 = arith.constant 0 : i32
      %dma_start3A_92 = tpu.memref_slice %arg2[%dma_start3A_90, %dma_start3A_91] : memref<2600000x32xf32, #tpu.memory_space<hbm>> -> memref<2600000x32xf32, #tpu.memory_space<hbm>>
      tpu.enqueue_indirect_dma source(%dma_start3A_92 : memref<2600000x32xf32, #tpu.memory_space<hbm>>) target(%dma_start3A_86 : memref<128x32xf32, #tpu.memory_space<vmem>>) offsets(%dma_start3A_89 : memref<128xi32, #tpu.memory_space<vmem>>) semaphore(%arg9 : memref<!tpu.dma_semaphore, #tpu.memory_space<semaphore_mem>>)
      %mul3A_93 = arith.constant 4 : i32
      %mul3A_94 = arith.muli %add3A_53, %mul3A_93 : i32
      %add3A_95 = arith.constant 3 : i32
      %add3A_96 = arith.addi %mul3A_94, %add3A_95 : i32
      %dma_start3A_97 = arith.constant 384 : i32
      %dma_start3A_98 = arith.constant 0 : i32
      %dma_start3A_99 = tpu.memref_slice %arg7[%dma_start3A_97, %dma_start3A_98] : memref<512x32xf32, #tpu.memory_space<vmem>> -> memref<128x32xf32, #tpu.memory_space<vmem>>
      %dma_start3A_100 = arith.constant 0 : i32
      %dma_start3A_101 = tpu.memref_slice %arg5[%add3A_96, %dma_start3A_100] : memref<104x128xi32, #tpu.memory_space<vmem>> -> memref<1x128xi32, #tpu.memory_space<vmem>>
      %dma_start3A_102 = tpu.memref_squeeze %dma_start3A_101 : memref<1x128xi32, #tpu.memory_space<vmem>> -> memref<128xi32, #tpu.memory_space<vmem>>
      %dma_start3A_103 = arith.constant 0 : i32
      %dma_start3A_104 = arith.constant 0 : i32
      %dma_start3A_105 = tpu.memref_slice %arg2[%dma_start3A_103, %dma_start3A_104] : memref<2600000x32xf32, #tpu.memory_space<hbm>> -> memref<2600000x32xf32, #tpu.memory_space<hbm>>
      tpu.enqueue_indirect_dma source(%dma_start3A_105 : memref<2600000x32xf32, #tpu.memory_space<hbm>>) target(%dma_start3A_99 : memref<128x32xf32, #tpu.memory_space<vmem>>) offsets(%dma_start3A_102 : memref<128xi32, #tpu.memory_space<vmem>>) semaphore(%arg9 : memref<!tpu.dma_semaphore, #tpu.memory_space<semaphore_mem>>)
      %mul3A_106 = arith.constant 4 : i32
      %mul3A_107 = arith.muli %mul3A_51, %mul3A_106 : i32
      %add3A_108 = arith.constant 0 : i32
      %add3A_109 = arith.addi %mul3A_107, %add3A_108 : i32
      %dma_wait3A = arith.constant 0 : i32
      %dma_wait3A_110 = arith.constant 0 : i32
      %dma_wait3A_111 = tpu.memref_slice %arg6[%dma_wait3A, %dma_wait3A_110] : memref<512x32xf32, #tpu.memory_space<vmem>> -> memref<128x32xf32, #tpu.memory_space<vmem>>
      %dma_wait3A_112 = arith.constant 0 : i32
      %dma_wait3A_113 = tpu.memref_slice %arg5[%add3A_109, %dma_wait3A_112] : memref<104x128xi32, #tpu.memory_space<vmem>> -> memref<1x128xi32, #tpu.memory_space<vmem>>
      %dma_wait3A_114 = tpu.memref_squeeze %dma_wait3A_113 : memref<1x128xi32, #tpu.memory_space<vmem>> -> memref<128xi32, #tpu.memory_space<vmem>>
      %dma_wait3A_115 = arith.constant 0 : i32
      %dma_wait3A_116 = arith.constant 0 : i32
      %dma_wait3A_117 = tpu.memref_slice %arg2[%dma_wait3A_115, %dma_wait3A_116] : memref<2600000x32xf32, #tpu.memory_space<hbm>> -> memref<2600000x32xf32, #tpu.memory_space<hbm>>
      tpu.wait_indirect_dma semaphore(%arg8 : memref<!tpu.dma_semaphore, #tpu.memory_space<semaphore_mem>>) src(%dma_wait3A_117 : memref<2600000x32xf32, #tpu.memory_space<hbm>>) dst(%dma_wait3A_111 : memref<128x32xf32, #tpu.memory_space<vmem>>)
      %mul3A_118 = arith.constant 4 : i32
      %mul3A_119 = arith.muli %mul3A_51, %mul3A_118 : i32
      %add3A_120 = arith.constant 1 : i32
      %add3A_121 = arith.addi %mul3A_119, %add3A_120 : i32
      %dma_wait3A_122 = arith.constant 128 : i32
      %dma_wait3A_123 = arith.constant 0 : i32
      %dma_wait3A_124 = tpu.memref_slice %arg6[%dma_wait3A_122, %dma_wait3A_123] : memref<512x32xf32, #tpu.memory_space<vmem>> -> memref<128x32xf32, #tpu.memory_space<vmem>>
      %dma_wait3A_125 = arith.constant 0 : i32
      %dma_wait3A_126 = tpu.memref_slice %arg5[%add3A_121, %dma_wait3A_125] : memref<104x128xi32, #tpu.memory_space<vmem>> -> memref<1x128xi32, #tpu.memory_space<vmem>>
      %dma_wait3A_127 = tpu.memref_squeeze %dma_wait3A_126 : memref<1x128xi32, #tpu.memory_space<vmem>> -> memref<128xi32, #tpu.memory_space<vmem>>
      %dma_wait3A_128 = arith.constant 0 : i32
      %dma_wait3A_129 = arith.constant 0 : i32
      %dma_wait3A_130 = tpu.memref_slice %arg2[%dma_wait3A_128, %dma_wait3A_129] : memref<2600000x32xf32, #tpu.memory_space<hbm>> -> memref<2600000x32xf32, #tpu.memory_space<hbm>>
      tpu.wait_indirect_dma semaphore(%arg8 : memref<!tpu.dma_semaphore, #tpu.memory_space<semaphore_mem>>) src(%dma_wait3A_130 : memref<2600000x32xf32, #tpu.memory_space<hbm>>) dst(%dma_wait3A_124 : memref<128x32xf32, #tpu.memory_space<vmem>>)
      %mul3A_131 = arith.constant 4 : i32
      %mul3A_132 = arith.muli %mul3A_51, %mul3A_131 : i32
      %add3A_133 = arith.constant 2 : i32
      %add3A_134 = arith.addi %mul3A_132, %add3A_133 : i32
      %dma_wait3A_135 = arith.constant 256 : i32
      %dma_wait3A_136 = arith.constant 0 : i32
      %dma_wait3A_137 = tpu.memref_slice %arg6[%dma_wait3A_135, %dma_wait3A_136] : memref<512x32xf32, #tpu.memory_space<vmem>> -> memref<128x32xf32, #tpu.memory_space<vmem>>
      %dma_wait3A_138 = arith.constant 0 : i32
      %dma_wait3A_139 = tpu.memref_slice %arg5[%add3A_134, %dma_wait3A_138] : memref<104x128xi32, #tpu.memory_space<vmem>> -> memref<1x128xi32, #tpu.memory_space<vmem>>
      %dma_wait3A_140 = tpu.memref_squeeze %dma_wait3A_139 : memref<1x128xi32, #tpu.memory_space<vmem>> -> memref<128xi32, #tpu.memory_space<vmem>>
      %dma_wait3A_141 = arith.constant 0 : i32
      %dma_wait3A_142 = arith.constant 0 : i32
      %dma_wait3A_143 = tpu.memref_slice %arg2[%dma_wait3A_141, %dma_wait3A_142] : memref<2600000x32xf32, #tpu.memory_space<hbm>> -> memref<2600000x32xf32, #tpu.memory_space<hbm>>
      tpu.wait_indirect_dma semaphore(%arg8 : memref<!tpu.dma_semaphore, #tpu.memory_space<semaphore_mem>>) src(%dma_wait3A_143 : memref<2600000x32xf32, #tpu.memory_space<hbm>>) dst(%dma_wait3A_137 : memref<128x32xf32, #tpu.memory_space<vmem>>)
      %mul3A_144 = arith.constant 4 : i32
      %mul3A_145 = arith.muli %mul3A_51, %mul3A_144 : i32
      %add3A_146 = arith.constant 3 : i32
      %add3A_147 = arith.addi %mul3A_145, %add3A_146 : i32
      %dma_wait3A_148 = arith.constant 384 : i32
      %dma_wait3A_149 = arith.constant 0 : i32
      %dma_wait3A_150 = tpu.memref_slice %arg6[%dma_wait3A_148, %dma_wait3A_149] : memref<512x32xf32, #tpu.memory_space<vmem>> -> memref<128x32xf32, #tpu.memory_space<vmem>>
      %dma_wait3A_151 = arith.constant 0 : i32
      %dma_wait3A_152 = tpu.memref_slice %arg5[%add3A_147, %dma_wait3A_151] : memref<104x128xi32, #tpu.memory_space<vmem>> -> memref<1x128xi32, #tpu.memory_space<vmem>>
      %dma_wait3A_153 = tpu.memref_squeeze %dma_wait3A_152 : memref<1x128xi32, #tpu.memory_space<vmem>> -> memref<128xi32, #tpu.memory_space<vmem>>
      %dma_wait3A_154 = arith.constant 0 : i32
      %dma_wait3A_155 = arith.constant 0 : i32
      %dma_wait3A_156 = tpu.memref_slice %arg2[%dma_wait3A_154, %dma_wait3A_155] : memref<2600000x32xf32, #tpu.memory_space<hbm>> -> memref<2600000x32xf32, #tpu.memory_space<hbm>>
      tpu.wait_indirect_dma semaphore(%arg8 : memref<!tpu.dma_semaphore, #tpu.memory_space<semaphore_mem>>) src(%dma_wait3A_156 : memref<2600000x32xf32, #tpu.memory_space<hbm>>) dst(%dma_wait3A_150 : memref<128x32xf32, #tpu.memory_space<vmem>>)
      %mul3A_157 = arith.constant 512 : i32
      %mul3A_158 = arith.muli %mul3A_51, %mul3A_157 : i32
      %add3A_159 = arith.addi %mul3A_2, %mul3A_158 : i32
      "tpu.region"() ({
        %run_scoped3A = tpu.sem_alloc : memref<!tpu.dma_semaphore, #tpu.memory_space<semaphore_mem>>
        %dma_start3A_222 = arith.constant 0 : i32
        %dma_start3A_223 = tpu.memref_slice %arg4[%add3A_159, %dma_start3A_222] : memref<425984x32xf32, #tpu.memory_space<hbm>> -> memref<512x32xf32, #tpu.memory_space<hbm>>
        %dma_start3A_224 = arith.constant 0 : i32
        %dma_start3A_225 = tpu.memref_slice %arg4[%add3A_159, %dma_start3A_224] : memref<425984x32xf32, #tpu.memory_space<hbm>> -> memref<512x32xf32, #tpu.memory_space<hbm>>
        tpu.enqueue_dma source(%arg6 : memref<512x32xf32, #tpu.memory_space<vmem>>) target(%dma_start3A_225 : memref<512x32xf32, #tpu.memory_space<hbm>>) target_semaphore(%run_scoped3A : memref<!tpu.dma_semaphore, #tpu.memory_space<semaphore_mem>>)
        %dma_wait3A_226 = arith.constant 0 : i32
        %dma_wait3A_227 = tpu.memref_slice %arg4[%add3A_159, %dma_wait3A_226] : memref<425984x32xf32, #tpu.memory_space<hbm>> -> memref<512x32xf32, #tpu.memory_space<hbm>>
        %dma_wait3A_228 = arith.constant 0 : i32
        %dma_wait3A_229 = tpu.memref_slice %arg4[%add3A_159, %dma_wait3A_228] : memref<425984x32xf32, #tpu.memory_space<hbm>> -> memref<512x32xf32, #tpu.memory_space<hbm>>
        tpu.wait_dma2 semaphore(%run_scoped3A : memref<!tpu.dma_semaphore, #tpu.memory_space<semaphore_mem>>) src(%arg6 : memref<512x32xf32, #tpu.memory_space<vmem>>) dst(%dma_wait3A_229 : memref<512x32xf32, #tpu.memory_space<hbm>>)
        tpu.yield
      }) : () -> ()
      %add3A_160 = arith.constant 2 : i32
      %add3A_161 = arith.addi %mul3A_51, %add3A_160 : i32
      %lt3A = arith.constant 26 : i32
      %lt3A_162 = arith.cmpi slt, %add3A_161, %lt3A : i32
      %convert_element_type3A = arith.extui %lt3A_162 : i1 to i32
      %cond3A = arith.constant 0 : i32
      %cond3A_163 = arith.cmpi ne, %convert_element_type3A, %cond3A : i32
      scf.if %cond3A_163 {
        %add3A_222 = arith.constant 2 : i32
        %add3A_223 = arith.addi %mul3A_51, %add3A_222 : i32
        %mul3A_224 = arith.constant 4 : i32
        %mul3A_225 = arith.muli %add3A_223, %mul3A_224 : i32
        %add3A_226 = arith.constant 0 : i32
        %add3A_227 = arith.addi %mul3A_225, %add3A_226 : i32
        %dma_start3A_228 = arith.constant 0 : i32
        %dma_start3A_229 = arith.constant 0 : i32
        %dma_start3A_230 = tpu.memref_slice %arg6[%dma_start3A_228, %dma_start3A_229] : memref<512x32xf32, #tpu.memory_space<vmem>> -> memref<128x32xf32, #tpu.memory_space<vmem>>
        %dma_start3A_231 = arith.constant 0 : i32
        %dma_start3A_232 = tpu.memref_slice %arg5[%add3A_227, %dma_start3A_231] : memref<104x128xi32, #tpu.memory_space<vmem>> -> memref<1x128xi32, #tpu.memory_space<vmem>>
        %dma_start3A_233 = tpu.memref_squeeze %dma_start3A_232 : memref<1x128xi32, #tpu.memory_space<vmem>> -> memref<128xi32, #tpu.memory_space<vmem>>
        %dma_start3A_234 = arith.constant 0 : i32
        %dma_start3A_235 = arith.constant 0 : i32
        %dma_start3A_236 = tpu.memref_slice %arg2[%dma_start3A_234, %dma_start3A_235] : memref<2600000x32xf32, #tpu.memory_space<hbm>> -> memref<2600000x32xf32, #tpu.memory_space<hbm>>
        tpu.enqueue_indirect_dma source(%dma_start3A_236 : memref<2600000x32xf32, #tpu.memory_space<hbm>>) target(%dma_start3A_230 : memref<128x32xf32, #tpu.memory_space<vmem>>) offsets(%dma_start3A_233 : memref<128xi32, #tpu.memory_space<vmem>>) semaphore(%arg8 : memref<!tpu.dma_semaphore, #tpu.memory_space<semaphore_mem>>)
        %mul3A_237 = arith.constant 4 : i32
        %mul3A_238 = arith.muli %add3A_223, %mul3A_237 : i32
        %add3A_239 = arith.constant 1 : i32
        %add3A_240 = arith.addi %mul3A_238, %add3A_239 : i32
        %dma_start3A_241 = arith.constant 128 : i32
        %dma_start3A_242 = arith.constant 0 : i32
        %dma_start3A_243 = tpu.memref_slice %arg6[%dma_start3A_241, %dma_start3A_242] : memref<512x32xf32, #tpu.memory_space<vmem>> -> memref<128x32xf32, #tpu.memory_space<vmem>>
        %dma_start3A_244 = arith.constant 0 : i32
        %dma_start3A_245 = tpu.memref_slice %arg5[%add3A_240, %dma_start3A_244] : memref<104x128xi32, #tpu.memory_space<vmem>> -> memref<1x128xi32, #tpu.memory_space<vmem>>
        %dma_start3A_246 = tpu.memref_squeeze %dma_start3A_245 : memref<1x128xi32, #tpu.memory_space<vmem>> -> memref<128xi32, #tpu.memory_space<vmem>>
        %dma_start3A_247 = arith.constant 0 : i32
        %dma_start3A_248 = arith.constant 0 : i32
        %dma_start3A_249 = tpu.memref_slice %arg2[%dma_start3A_247, %dma_start3A_248] : memref<2600000x32xf32, #tpu.memory_space<hbm>> -> memref<2600000x32xf32, #tpu.memory_space<hbm>>
        tpu.enqueue_indirect_dma source(%dma_start3A_249 : memref<2600000x32xf32, #tpu.memory_space<hbm>>) target(%dma_start3A_243 : memref<128x32xf32, #tpu.memory_space<vmem>>) offsets(%dma_start3A_246 : memref<128xi32, #tpu.memory_space<vmem>>) semaphore(%arg8 : memref<!tpu.dma_semaphore, #tpu.memory_space<semaphore_mem>>)
        %mul3A_250 = arith.constant 4 : i32
        %mul3A_251 = arith.muli %add3A_223, %mul3A_250 : i32
        %add3A_252 = arith.constant 2 : i32
        %add3A_253 = arith.addi %mul3A_251, %add3A_252 : i32
        %dma_start3A_254 = arith.constant 256 : i32
        %dma_start3A_255 = arith.constant 0 : i32
        %dma_start3A_256 = tpu.memref_slice %arg6[%dma_start3A_254, %dma_start3A_255] : memref<512x32xf32, #tpu.memory_space<vmem>> -> memref<128x32xf32, #tpu.memory_space<vmem>>
        %dma_start3A_257 = arith.constant 0 : i32
        %dma_start3A_258 = tpu.memref_slice %arg5[%add3A_253, %dma_start3A_257] : memref<104x128xi32, #tpu.memory_space<vmem>> -> memref<1x128xi32, #tpu.memory_space<vmem>>
        %dma_start3A_259 = tpu.memref_squeeze %dma_start3A_258 : memref<1x128xi32, #tpu.memory_space<vmem>> -> memref<128xi32, #tpu.memory_space<vmem>>
        %dma_start3A_260 = arith.constant 0 : i32
        %dma_start3A_261 = arith.constant 0 : i32
        %dma_start3A_262 = tpu.memref_slice %arg2[%dma_start3A_260, %dma_start3A_261] : memref<2600000x32xf32, #tpu.memory_space<hbm>> -> memref<2600000x32xf32, #tpu.memory_space<hbm>>
        tpu.enqueue_indirect_dma source(%dma_start3A_262 : memref<2600000x32xf32, #tpu.memory_space<hbm>>) target(%dma_start3A_256 : memref<128x32xf32, #tpu.memory_space<vmem>>) offsets(%dma_start3A_259 : memref<128xi32, #tpu.memory_space<vmem>>) semaphore(%arg8 : memref<!tpu.dma_semaphore, #tpu.memory_space<semaphore_mem>>)
        %mul3A_263 = arith.constant 4 : i32
        %mul3A_264 = arith.muli %add3A_223, %mul3A_263 : i32
        %add3A_265 = arith.constant 3 : i32
        %add3A_266 = arith.addi %mul3A_264, %add3A_265 : i32
        %dma_start3A_267 = arith.constant 384 : i32
        %dma_start3A_268 = arith.constant 0 : i32
        %dma_start3A_269 = tpu.memref_slice %arg6[%dma_start3A_267, %dma_start3A_268] : memref<512x32xf32, #tpu.memory_space<vmem>> -> memref<128x32xf32, #tpu.memory_space<vmem>>
        %dma_start3A_270 = arith.constant 0 : i32
        %dma_start3A_271 = tpu.memref_slice %arg5[%add3A_266, %dma_start3A_270] : memref<104x128xi32, #tpu.memory_space<vmem>> -> memref<1x128xi32, #tpu.memory_space<vmem>>
        %dma_start3A_272 = tpu.memref_squeeze %dma_start3A_271 : memref<1x128xi32, #tpu.memory_space<vmem>> -> memref<128xi32, #tpu.memory_space<vmem>>
        %dma_start3A_273 = arith.constant 0 : i32
        %dma_start3A_274 = arith.constant 0 : i32
        %dma_start3A_275 = tpu.memref_slice %arg2[%dma_start3A_273, %dma_start3A_274] : memref<2600000x32xf32, #tpu.memory_space<hbm>> -> memref<2600000x32xf32, #tpu.memory_space<hbm>>
        tpu.enqueue_indirect_dma source(%dma_start3A_275 : memref<2600000x32xf32, #tpu.memory_space<hbm>>) target(%dma_start3A_269 : memref<128x32xf32, #tpu.memory_space<vmem>>) offsets(%dma_start3A_272 : memref<128xi32, #tpu.memory_space<vmem>>) semaphore(%arg8 : memref<!tpu.dma_semaphore, #tpu.memory_space<semaphore_mem>>)
      } else {
      }
      %add3A_164 = arith.constant 1 : i32
      %add3A_165 = arith.addi %mul3A_51, %add3A_164 : i32
      %mul3A_166 = arith.constant 4 : i32
      %mul3A_167 = arith.muli %add3A_165, %mul3A_166 : i32
      %add3A_168 = arith.constant 0 : i32
      %add3A_169 = arith.addi %mul3A_167, %add3A_168 : i32
      %dma_wait3A_170 = arith.constant 0 : i32
      %dma_wait3A_171 = arith.constant 0 : i32
      %dma_wait3A_172 = tpu.memref_slice %arg7[%dma_wait3A_170, %dma_wait3A_171] : memref<512x32xf32, #tpu.memory_space<vmem>> -> memref<128x32xf32, #tpu.memory_space<vmem>>
      %dma_wait3A_173 = arith.constant 0 : i32
      %dma_wait3A_174 = tpu.memref_slice %arg5[%add3A_169, %dma_wait3A_173] : memref<104x128xi32, #tpu.memory_space<vmem>> -> memref<1x128xi32, #tpu.memory_space<vmem>>
      %dma_wait3A_175 = tpu.memref_squeeze %dma_wait3A_174 : memref<1x128xi32, #tpu.memory_space<vmem>> -> memref<128xi32, #tpu.memory_space<vmem>>
      %dma_wait3A_176 = arith.constant 0 : i32
      %dma_wait3A_177 = arith.constant 0 : i32
      %dma_wait3A_178 = tpu.memref_slice %arg2[%dma_wait3A_176, %dma_wait3A_177] : memref<2600000x32xf32, #tpu.memory_space<hbm>> -> memref<2600000x32xf32, #tpu.memory_space<hbm>>
      tpu.wait_indirect_dma semaphore(%arg9 : memref<!tpu.dma_semaphore, #tpu.memory_space<semaphore_mem>>) src(%dma_wait3A_178 : memref<2600000x32xf32, #tpu.memory_space<hbm>>) dst(%dma_wait3A_172 : memref<128x32xf32, #tpu.memory_space<vmem>>)
      %mul3A_179 = arith.constant 4 : i32
      %mul3A_180 = arith.muli %add3A_165, %mul3A_179 : i32
      %add3A_181 = arith.constant 1 : i32
      %add3A_182 = arith.addi %mul3A_180, %add3A_181 : i32
      %dma_wait3A_183 = arith.constant 128 : i32
      %dma_wait3A_184 = arith.constant 0 : i32
      %dma_wait3A_185 = tpu.memref_slice %arg7[%dma_wait3A_183, %dma_wait3A_184] : memref<512x32xf32, #tpu.memory_space<vmem>> -> memref<128x32xf32, #tpu.memory_space<vmem>>
      %dma_wait3A_186 = arith.constant 0 : i32
      %dma_wait3A_187 = tpu.memref_slice %arg5[%add3A_182, %dma_wait3A_186] : memref<104x128xi32, #tpu.memory_space<vmem>> -> memref<1x128xi32, #tpu.memory_space<vmem>>
      %dma_wait3A_188 = tpu.memref_squeeze %dma_wait3A_187 : memref<1x128xi32, #tpu.memory_space<vmem>> -> memref<128xi32, #tpu.memory_space<vmem>>
      %dma_wait3A_189 = arith.constant 0 : i32
      %dma_wait3A_190 = arith.constant 0 : i32
      %dma_wait3A_191 = tpu.memref_slice %arg2[%dma_wait3A_189, %dma_wait3A_190] : memref<2600000x32xf32, #tpu.memory_space<hbm>> -> memref<2600000x32xf32, #tpu.memory_space<hbm>>
      tpu.wait_indirect_dma semaphore(%arg9 : memref<!tpu.dma_semaphore, #tpu.memory_space<semaphore_mem>>) src(%dma_wait3A_191 : memref<2600000x32xf32, #tpu.memory_space<hbm>>) dst(%dma_wait3A_185 : memref<128x32xf32, #tpu.memory_space<vmem>>)
      %mul3A_192 = arith.constant 4 : i32
      %mul3A_193 = arith.muli %add3A_165, %mul3A_192 : i32
      %add3A_194 = arith.constant 2 : i32
      %add3A_195 = arith.addi %mul3A_193, %add3A_194 : i32
      %dma_wait3A_196 = arith.constant 256 : i32
      %dma_wait3A_197 = arith.constant 0 : i32
      %dma_wait3A_198 = tpu.memref_slice %arg7[%dma_wait3A_196, %dma_wait3A_197] : memref<512x32xf32, #tpu.memory_space<vmem>> -> memref<128x32xf32, #tpu.memory_space<vmem>>
      %dma_wait3A_199 = arith.constant 0 : i32
      %dma_wait3A_200 = tpu.memref_slice %arg5[%add3A_195, %dma_wait3A_199] : memref<104x128xi32, #tpu.memory_space<vmem>> -> memref<1x128xi32, #tpu.memory_space<vmem>>
      %dma_wait3A_201 = tpu.memref_squeeze %dma_wait3A_200 : memref<1x128xi32, #tpu.memory_space<vmem>> -> memref<128xi32, #tpu.memory_space<vmem>>
      %dma_wait3A_202 = arith.constant 0 : i32
      %dma_wait3A_203 = arith.constant 0 : i32
      %dma_wait3A_204 = tpu.memref_slice %arg2[%dma_wait3A_202, %dma_wait3A_203] : memref<2600000x32xf32, #tpu.memory_space<hbm>> -> memref<2600000x32xf32, #tpu.memory_space<hbm>>
      tpu.wait_indirect_dma semaphore(%arg9 : memref<!tpu.dma_semaphore, #tpu.memory_space<semaphore_mem>>) src(%dma_wait3A_204 : memref<2600000x32xf32, #tpu.memory_space<hbm>>) dst(%dma_wait3A_198 : memref<128x32xf32, #tpu.memory_space<vmem>>)
      %mul3A_205 = arith.constant 4 : i32
      %mul3A_206 = arith.muli %add3A_165, %mul3A_205 : i32
      %add3A_207 = arith.constant 3 : i32
      %add3A_208 = arith.addi %mul3A_206, %add3A_207 : i32
      %dma_wait3A_209 = arith.constant 384 : i32
      %dma_wait3A_210 = arith.constant 0 : i32
      %dma_wait3A_211 = tpu.memref_slice %arg7[%dma_wait3A_209, %dma_wait3A_210] : memref<512x32xf32, #tpu.memory_space<vmem>> -> memref<128x32xf32, #tpu.memory_space<vmem>>
      %dma_wait3A_212 = arith.constant 0 : i32
      %dma_wait3A_213 = tpu.memref_slice %arg5[%add3A_208, %dma_wait3A_212] : memref<104x128xi32, #tpu.memory_space<vmem>> -> memref<1x128xi32, #tpu.memory_space<vmem>>
      %dma_wait3A_214 = tpu.memref_squeeze %dma_wait3A_213 : memref<1x128xi32, #tpu.memory_space<vmem>> -> memref<128xi32, #tpu.memory_space<vmem>>
      %dma_wait3A_215 = arith.constant 0 : i32
      %dma_wait3A_216 = arith.constant 0 : i32
      %dma_wait3A_217 = tpu.memref_slice %arg2[%dma_wait3A_215, %dma_wait3A_216] : memref<2600000x32xf32, #tpu.memory_space<hbm>> -> memref<2600000x32xf32, #tpu.memory_space<hbm>>
      tpu.wait_indirect_dma semaphore(%arg9 : memref<!tpu.dma_semaphore, #tpu.memory_space<semaphore_mem>>) src(%dma_wait3A_217 : memref<2600000x32xf32, #tpu.memory_space<hbm>>) dst(%dma_wait3A_211 : memref<128x32xf32, #tpu.memory_space<vmem>>)
      %mul3A_218 = arith.constant 512 : i32
      %mul3A_219 = arith.muli %add3A_165, %mul3A_218 : i32
      %add3A_220 = arith.addi %mul3A_2, %mul3A_219 : i32
      "tpu.region"() ({
        %run_scoped3A = tpu.sem_alloc : memref<!tpu.dma_semaphore, #tpu.memory_space<semaphore_mem>>
        %dma_start3A_222 = arith.constant 0 : i32
        %dma_start3A_223 = tpu.memref_slice %arg4[%add3A_220, %dma_start3A_222] : memref<425984x32xf32, #tpu.memory_space<hbm>> -> memref<512x32xf32, #tpu.memory_space<hbm>>
        %dma_start3A_224 = arith.constant 0 : i32
        %dma_start3A_225 = tpu.memref_slice %arg4[%add3A_220, %dma_start3A_224] : memref<425984x32xf32, #tpu.memory_space<hbm>> -> memref<512x32xf32, #tpu.memory_space<hbm>>
        tpu.enqueue_dma source(%arg7 : memref<512x32xf32, #tpu.memory_space<vmem>>) target(%dma_start3A_225 : memref<512x32xf32, #tpu.memory_space<hbm>>) target_semaphore(%run_scoped3A : memref<!tpu.dma_semaphore, #tpu.memory_space<semaphore_mem>>)
        %dma_wait3A_226 = arith.constant 0 : i32
        %dma_wait3A_227 = tpu.memref_slice %arg4[%add3A_220, %dma_wait3A_226] : memref<425984x32xf32, #tpu.memory_space<hbm>> -> memref<512x32xf32, #tpu.memory_space<hbm>>
        %dma_wait3A_228 = arith.constant 0 : i32
        %dma_wait3A_229 = tpu.memref_slice %arg4[%add3A_220, %dma_wait3A_228] : memref<425984x32xf32, #tpu.memory_space<hbm>> -> memref<512x32xf32, #tpu.memory_space<hbm>>
        tpu.wait_dma2 semaphore(%run_scoped3A : memref<!tpu.dma_semaphore, #tpu.memory_space<semaphore_mem>>) src(%arg7 : memref<512x32xf32, #tpu.memory_space<vmem>>) dst(%dma_wait3A_229 : memref<512x32xf32, #tpu.memory_space<hbm>>)
        tpu.yield
      }) : () -> ()
      %scan3A_221 = arith.constant 0 : i32
      scf.yield %scan3A_221 : i32
    }
    %scan3A_47 = arith.constant 13 : i32
    return
  }
}

module attributes {stable_mosaic.version = 14 : i64} {
  func.func @_tc_body(%arg0: i32, %arg1: memref<256x832xf32, #tpu.memory_space<vmem>>, %arg2: memref<832x128xbf16, #tpu.memory_space<vmem>>, %arg3: memref<128x832xbf16, #tpu.memory_space<vmem>>, %arg4: memref<1x832xf32, #tpu.memory_space<vmem>>, %arg5: memref<1x832xf32, #tpu.memory_space<vmem>>, %arg6: memref<832x128xbf16, #tpu.memory_space<vmem>>, %arg7: memref<1x128xf32, #tpu.memory_space<vmem>>, %arg8: memref<128x128xbf16, #tpu.memory_space<vmem>>, %arg9: memref<1x128xf32, #tpu.memory_space<vmem>>, %arg10: memref<256x128xf32, #tpu.memory_space<vmem>>) attributes {dimension_semantics = [#tpu.dimension_semantics<arbitrary>], iteration_bounds = array<i64: 64>, scalar_prefetch = 0 : i64, scratch_operands = 0 : i64, tpu.core_type = #tpu.core_type<tc>, window_params = [{transform_indices = @transform_0, window_bounds = array<i64: 256, 832>}, {pipeline_mode = #tpu.pipeline_mode<synchronous>, transform_indices = @transform_1, window_bounds = array<i64: 832, 128>}, {pipeline_mode = #tpu.pipeline_mode<synchronous>, transform_indices = @transform_2, window_bounds = array<i64: 128, 832>}, {pipeline_mode = #tpu.pipeline_mode<synchronous>, transform_indices = @transform_3, window_bounds = array<i64: 1, 832>}, {pipeline_mode = #tpu.pipeline_mode<synchronous>, transform_indices = @transform_4, window_bounds = array<i64: 1, 832>}, {pipeline_mode = #tpu.pipeline_mode<synchronous>, transform_indices = @transform_5, window_bounds = array<i64: 832, 128>}, {pipeline_mode = #tpu.pipeline_mode<synchronous>, transform_indices = @transform_6, window_bounds = array<i64: 1, 128>}, {pipeline_mode = #tpu.pipeline_mode<synchronous>, transform_indices = @transform_7, window_bounds = array<i64: 128, 128>}, {pipeline_mode = #tpu.pipeline_mode<synchronous>, transform_indices = @transform_8, window_bounds = array<i64: 1, 128>}, {transform_indices = @transform_9, window_bounds = array<i64: 256, 128>}]} {
    %get3A = arith.constant 0 : index
    %get3A_0 = arith.constant 0 : index
    %get3A_1 = vector.load %arg1[%get3A, %get3A_0] : memref<256x832xf32, #tpu.memory_space<vmem>>, vector<256x832xf32>
    %convert_element_type3A = arith.truncf %get3A_1 : vector<256x832xf32> to vector<256x832xbf16>
    %get3A_2 = arith.constant 0 : index
    %get3A_3 = arith.constant 0 : index
    %get3A_4 = vector.load %arg2[%get3A_2, %get3A_3] : memref<832x128xbf16, #tpu.memory_space<vmem>>, vector<832x128xbf16>
    %get3A_5 = arith.constant 0 : index
    %get3A_6 = arith.constant 0 : index
    %get3A_7 = vector.load %arg3[%get3A_5, %get3A_6] : memref<128x832xbf16, #tpu.memory_space<vmem>>, vector<128x832xbf16>
    %dot_general3A = arith.constant dense<0.000000e+00> : vector<256x128xf32>
    %dot_general3A_8 = tpu.matmul %convert_element_type3A, %get3A_4, %dot_general3A {dimension_numbers = #tpu.dot_dimension_numbers<[1], [0], [0], [1], [0, 0, 1, 1], [], []>, transpose_lhs_hint = false} : vector<256x832xbf16>, vector<832x128xbf16>, vector<256x128xf32> -> vector<256x128xf32>
    %mul3A = arith.mulf %get3A_1, %get3A_1 : vector<256x832xf32>
    %convert_element_type3A_9 = arith.truncf %mul3A : vector<256x832xf32> to vector<256x832xbf16>
    %dot_general3A_10 = arith.constant dense<0.000000e+00> : vector<256x128xf32>
    %dot_general3A_11 = tpu.matmul %convert_element_type3A_9, %get3A_4, %dot_general3A_10 {dimension_numbers = #tpu.dot_dimension_numbers<[1], [0], [0], [1], [0, 0, 1, 1], [], []>, transpose_lhs_hint = false} : vector<256x832xbf16>, vector<832x128xbf16>, vector<256x128xf32> -> vector<256x128xf32>
    %convert_element_type3A_12 = arith.truncf %dot_general3A_8 : vector<256x128xf32> to vector<256x128xbf16>
    %dot_general3A_13 = arith.constant dense<0.000000e+00> : vector<256x832xf32>
    %dot_general3A_14 = tpu.matmul %convert_element_type3A_12, %get3A_7, %dot_general3A_13 {dimension_numbers = #tpu.dot_dimension_numbers<[1], [0], [0], [1], [0, 0, 1, 1], [], []>, transpose_lhs_hint = false} : vector<256x128xbf16>, vector<128x832xbf16>, vector<256x832xf32> -> vector<256x832xf32>
    %convert_element_type3A_15 = arith.truncf %dot_general3A_11 : vector<256x128xf32> to vector<256x128xbf16>
    %dot_general3A_16 = arith.constant dense<0.000000e+00> : vector<256x832xf32>
    %dot_general3A_17 = tpu.matmul %convert_element_type3A_15, %get3A_7, %dot_general3A_16 {dimension_numbers = #tpu.dot_dimension_numbers<[1], [0], [0], [1], [0, 0, 1, 1], [], []>, transpose_lhs_hint = false} : vector<256x128xbf16>, vector<128x832xbf16>, vector<256x832xf32> -> vector<256x832xf32>
    %mul3A_18 = arith.mulf %dot_general3A_14, %dot_general3A_14 : vector<256x832xf32>
    %sub3A = arith.subf %dot_general3A_17, %mul3A_18 : vector<256x832xf32>
    %sub3A_19 = arith.subf %get3A_1, %dot_general3A_14 : vector<256x832xf32>
    %add3A = arith.constant 9.99999974E-6 : f32
    %add3A_20 = vector.broadcast %add3A : f32 to vector<256x832xf32>
    %add3A_21 = arith.addf %sub3A, %add3A_20 : vector<256x832xf32>
    %rsqrt3A = math.rsqrt %add3A_21 : vector<256x832xf32>
    %mul3A_22 = arith.mulf %sub3A_19, %rsqrt3A : vector<256x832xf32>
    %get3A_23 = arith.constant 0 : index
    %get3A_24 = arith.constant 0 : index
    %get3A_25 = vector.load %arg4[%get3A_23, %get3A_24] : memref<1x832xf32, #tpu.memory_space<vmem>>, vector<1x832xf32>
    %mul3A_26 = vector.broadcast %get3A_25 : vector<1x832xf32> to vector<256x832xf32>
    %mul3A_27 = arith.mulf %mul3A_22, %mul3A_26 : vector<256x832xf32>
    %get3A_28 = arith.constant 0 : index
    %get3A_29 = arith.constant 0 : index
    %get3A_30 = vector.load %arg5[%get3A_28, %get3A_29] : memref<1x832xf32, #tpu.memory_space<vmem>>, vector<1x832xf32>
    %add3A_31 = vector.broadcast %get3A_30 : vector<1x832xf32> to vector<256x832xf32>
    %add3A_32 = arith.addf %mul3A_27, %add3A_31 : vector<256x832xf32>
    %convert_element_type3A_33 = arith.truncf %add3A_32 : vector<256x832xf32> to vector<256x832xbf16>
    %get3A_34 = arith.constant 0 : index
    %get3A_35 = arith.constant 0 : index
    %get3A_36 = vector.load %arg6[%get3A_34, %get3A_35] : memref<832x128xbf16, #tpu.memory_space<vmem>>, vector<832x128xbf16>
    %dot_general3A_37 = arith.constant dense<0.000000e+00> : vector<256x128xf32>
    %dot_general3A_38 = tpu.matmul %convert_element_type3A_33, %get3A_36, %dot_general3A_37 {dimension_numbers = #tpu.dot_dimension_numbers<[1], [0], [0], [1], [0, 0, 1, 1], [], []>, transpose_lhs_hint = false} : vector<256x832xbf16>, vector<832x128xbf16>, vector<256x128xf32> -> vector<256x128xf32>
    %get3A_39 = arith.constant 0 : index
    %get3A_40 = arith.constant 0 : index
    %get3A_41 = vector.load %arg7[%get3A_39, %get3A_40] : memref<1x128xf32, #tpu.memory_space<vmem>>, vector<1x128xf32>
    %add3A_42 = vector.broadcast %get3A_41 : vector<1x128xf32> to vector<256x128xf32>
    %add3A_43 = arith.addf %dot_general3A_38, %add3A_42 : vector<256x128xf32>
    %mul3A_44 = arith.constant 5.000000e-01 : f32
    %mul3A_45 = vector.broadcast %mul3A_44 : f32 to vector<256x128xf32>
    %mul3A_46 = arith.mulf %mul3A_45, %add3A_43 : vector<256x128xf32>
    %mul3A_47 = arith.constant 0.707106769 : f32
    %mul3A_48 = vector.broadcast %mul3A_47 : f32 to vector<256x128xf32>
    %mul3A_49 = arith.mulf %add3A_43, %mul3A_48 : vector<256x128xf32>
    %erf3A = math.erf %mul3A_49 : vector<256x128xf32>
    %add3A_50 = arith.constant 1.000000e+00 : f32
    %add3A_51 = vector.broadcast %add3A_50 : f32 to vector<256x128xf32>
    %add3A_52 = arith.addf %add3A_51, %erf3A : vector<256x128xf32>
    %mul3A_53 = arith.mulf %mul3A_46, %add3A_52 : vector<256x128xf32>
    %convert_element_type3A_54 = arith.truncf %mul3A_53 : vector<256x128xf32> to vector<256x128xbf16>
    %get3A_55 = arith.constant 0 : index
    %get3A_56 = arith.constant 0 : index
    %get3A_57 = vector.load %arg8[%get3A_55, %get3A_56] : memref<128x128xbf16, #tpu.memory_space<vmem>>, vector<128x128xbf16>
    %dot_general3A_58 = arith.constant dense<0.000000e+00> : vector<256x128xf32>
    %dot_general3A_59 = tpu.matmul %convert_element_type3A_54, %get3A_57, %dot_general3A_58 {dimension_numbers = #tpu.dot_dimension_numbers<[1], [0], [0], [1], [0, 0, 1, 1], [], []>, transpose_lhs_hint = false} : vector<256x128xbf16>, vector<128x128xbf16>, vector<256x128xf32> -> vector<256x128xf32>
    %get3A_60 = arith.constant 0 : index
    %get3A_61 = arith.constant 0 : index
    %get3A_62 = vector.load %arg9[%get3A_60, %get3A_61] : memref<1x128xf32, #tpu.memory_space<vmem>>, vector<1x128xf32>
    %add3A_63 = vector.broadcast %get3A_62 : vector<1x128xf32> to vector<256x128xf32>
    %add3A_64 = arith.addf %dot_general3A_59, %add3A_63 : vector<256x128xf32>
    %swap3A = arith.constant 0 : index
    %swap3A_65 = arith.constant 0 : index
    %swap3A_66 = vector.load %arg10[%swap3A, %swap3A_65] : memref<256x128xf32, #tpu.memory_space<vmem>>, vector<256x128xf32>
    tpu.vector_store %arg10[%swap3A, %swap3A_65], %add3A_64 {strides = array<i32>} : memref<256x128xf32, #tpu.memory_space<vmem>>, vector<256x128xf32>,
    return
  }
  func.func @transform_0(%arg0: i32) -> (i32, i32) {
    %c0_i32 = arith.constant 0 : i32
    %c0_i32_0 = arith.constant 0 : i32
    return %arg0, %c0_i32 : i32, i32
  }
  func.func @transform_1(%arg0: i32) -> (i32, i32) {
    %c0_i32 = arith.constant 0 : i32
    %c0_i32_0 = arith.constant 0 : i32
    %c0_i32_1 = arith.constant 0 : i32
    return %c0_i32, %c0_i32_0 : i32, i32
  }
  func.func @transform_2(%arg0: i32) -> (i32, i32) {
    %c0_i32 = arith.constant 0 : i32
    %c0_i32_0 = arith.constant 0 : i32
    %c0_i32_1 = arith.constant 0 : i32
    return %c0_i32, %c0_i32_0 : i32, i32
  }
  func.func @transform_3(%arg0: i32) -> (i32, i32) {
    %c0_i32 = arith.constant 0 : i32
    %c0_i32_0 = arith.constant 0 : i32
    %c0_i32_1 = arith.constant 0 : i32
    return %c0_i32, %c0_i32_0 : i32, i32
  }
  func.func @transform_4(%arg0: i32) -> (i32, i32) {
    %c0_i32 = arith.constant 0 : i32
    %c0_i32_0 = arith.constant 0 : i32
    %c0_i32_1 = arith.constant 0 : i32
    return %c0_i32, %c0_i32_0 : i32, i32
  }
  func.func @transform_5(%arg0: i32) -> (i32, i32) {
    %c0_i32 = arith.constant 0 : i32
    %c0_i32_0 = arith.constant 0 : i32
    %c0_i32_1 = arith.constant 0 : i32
    return %c0_i32, %c0_i32_0 : i32, i32
  }
  func.func @transform_6(%arg0: i32) -> (i32, i32) {
    %c0_i32 = arith.constant 0 : i32
    %c0_i32_0 = arith.constant 0 : i32
    %c0_i32_1 = arith.constant 0 : i32
    return %c0_i32, %c0_i32_0 : i32, i32
  }
  func.func @transform_7(%arg0: i32) -> (i32, i32) {
    %c0_i32 = arith.constant 0 : i32
    %c0_i32_0 = arith.constant 0 : i32
    %c0_i32_1 = arith.constant 0 : i32
    return %c0_i32, %c0_i32_0 : i32, i32
  }
  func.func @transform_8(%arg0: i32) -> (i32, i32) {
    %c0_i32 = arith.constant 0 : i32
    %c0_i32_0 = arith.constant 0 : i32
    %c0_i32_1 = arith.constant 0 : i32
    return %c0_i32, %c0_i32_0 : i32, i32
  }
  func.func @transform_9(%arg0: i32) -> (i32, i32) {
    %c0_i32 = arith.constant 0 : i32
    %c0_i32_0 = arith.constant 0 : i32
    return %arg0, %c0_i32 : i32, i32
  }
}

</mosaic_0001>

<sc_bundles>
// kernel: kernel.4.cloned.1.call-start
scs
__scs_entry_jumppad:
0x0: {  	(pc) =	sbr.rel $0x88, $3  }
0x1: {  	(tag) =	ssettag $0x0;
	lr =	simm.s32 $0x1  }
0x2: {  	[smem:$0x3F99] =	sst lr;
	_ =	strace $0xD0000000  }
0x3: {  	_ = 	snop  }
0x4: {  	_ = 	snop  }
0x5: {  	_ = 	snop  }
0x6: {  	_ = 	snop  }
0x7: {  	_ = 	snop  }
__scs_overlays_trampoline_lowered:
0x8: {  	[smem:$0x3FA8] =	sst s0  }
0x9: {  	[smem:$0x3FA9] =	sst s1  }
0xa: {  	[smem:$0x3FAA] =	sst s2  }
0xb: {  	[smem:$0x3FAB] =	sst s3  }
0xc: {  	[smem:$0x3FAC] =	sst s4  }
0xd: {  	[smem:$0x3FAD] =	sst s5  }
0xe: {  	[smem:$0x3FAE] =	sst s6  }
0xf: {  	[smem:$0x3FAF] =	sst s7  }
0x10: {  	[smem:$0x3FB0] =	sst s8  }
0x11: {  	[smem:$0x3FB1] =	sst s9;
	s0 =	simm.s32 @!p0 $0x0  }
0x12: {  	s1 =	sld [smem:$0x3F97];
	s0 =	simm.s32 @p0 $0x1  }
0x13: {  	[smem:$0x3FB2] =	sst s0;
	s0 =	simm.s32 @!p1 $0x0  }
0x14: {  	s2 =	sld [smem:$0x3F96];
	s0 =	simm.s32 @p1 $0x1  }
0x15: {  	[smem:$0x3FB3] =	sst s0;
	s0 =	simm.s32 @!p2 $0x0  }
0x16: {  	s3 =	sld [smem:$0x3FDB];
	s0 =	simm.s32 @p2 $0x1  }
0x17: {  	s4 =	simm.s32 $0x1BF5;
	[smem:$0x3FB5] =	sst s0  }
0x18: {  	s0 =	sld [smem:$0x3F98];
	_ =	swait.ge [sflag:s4], $0x0  }
0x19: {  	s7 =	sld [smem:$0x3F99]  }
0x1a: {  	s8 =	sadd.s32 $0xFFFFE003, lr  }
0x1b: {  	s9 =	sadd.s32 $0xFFFFFEF7, lr;
	s5 =	simm.s32 $0xFFFFFFFF;
	p2 =	slt.u32 s8, $0xFFFFF086  }
0x1c: {  	p1 =	slt.u32 s9, $0xF7A;
	s5 =	simm.s32 @!p2 $0x0  }
0x1d: {  	s5 =	simm.s32 @p1 $0x1;
	p0 =	seq.s32 s7, s2  }
0x1e: {  	s7 =	smul.u32 @!p0 $0xF7A, s2;
	p2 =	seq.s32 @!p0 s5, $0x0  }
0x1f: {  	s9 =	smul.u32 $0xF7A, s1;
	s8 =	simm.s32 @!p0 $0x1BF5;
	p2 =	por !p2, p0  }
0x20: {  	[sflag:s8] =	ssyncset.s32 @!p0 $0xFFFFF086;
	s6 =	sadd.s32 @!p0 s3, s7;
	s7 =	simm.s32 @!p0 $0x108  }
0x21: {  	s3 =	sadd.s32 s3, s9;
	s6 =	sadd.s32 @!p0 $0x88, s6;
	s7 =	simm.s32 @p2 $0x1082  }
0x22: {  	[simem:s7], [sflag:s8] =	dma.local @!p0 [hbm:s6], $0xF7A  }
0x23: {  	s9 =	sor.u32 $0xD0000000, s2;
	s6 =	simm.s32 $0x108;
	_ =	swait.ge @!p0 [sflag:s8], $0x0  }
0x24: {  	s3 =	sadd.s32 $0x88, s3;
	s6 =	simm.s32 @!p1 $0x1082;
	[sflag:s4] =	ssyncset.s32 $0xFFFFF086  }
0x25: {  	[simem:s6], [sflag:s4] =	dma.local [hbm:s3], $0xF7A  }
0x26: {  	[smem:$0x3F99] =	sst s1;
	(tag) =	ssettag s2;
	_ =	strace s9  }
0x27: {  	s1 =	sld [smem:$0x3FA9]  }
0x28: {  	s2 =	sld [smem:$0x3FAA]  }
0x29: {  	s4 =	sld [smem:$0x3FAC]  }
0x2a: {  	p0 =	seq.s32 s5, $0x0;
	s5 =	sld [smem:$0x3FAD]  }
0x2b: {  	s6 =	sld [smem:$0x3FAE]  }
0x2c: {  	s7 =	sld [smem:$0x3FAF]  }
0x2d: {  	s3 =	simm.s32 $0x108;
	s8 =	sld [smem:$0x3FB0]  }
0x2e: {  	s3 =	simm.s32 @!p0 $0x1082;
	s9 =	sld [smem:$0x3FB1]  }
0x2f: {  	lr =	sadd.s32 s0, s3;
	s0 =	sld [smem:$0x3FA8]  }
0x30: {  	s3 =	sld [smem:$0x3FAB]  }
0x31: {  	[smem:$0x3FB4] =	sst s10  }
0x32: {  	s10 =	sld [smem:$0x3FB2];
	_ =	sdelay $0x3  }
0x33: {  	p0 =	seq.s32 s10, $0x1;
	s10 =	sld [smem:$0x3FB4];
	_ =	sdelay $0x3  }
0x34: {  	[smem:$0x3FB4] =	sst s10  }
0x35: {  	s10 =	sld [smem:$0x3FB3];
	_ =	sdelay $0x3  }
0x36: {  	p1 =	seq.s32 s10, $0x1;
	s10 =	sld [smem:$0x3FB4];
	_ =	sdelay $0x3  }
0x37: {  	[smem:$0x3FB4] =	sst s10  }
0x38: {  	s10 =	sld [smem:$0x3FB5]  }
0x39: {  	_ = 	snop;
	(pc) =	sbr.ind lr, $3  }
0x3a: {  	_ = 	snop  }
0x3b: {  	_ = 	snop  }
0x3c: {  	p2 =	seq.s32 s10, $0x1;
	s10 =	sld [smem:$0x3FB4]  }
0x3d: {  	_ =	shalt  }
0x3e: {  	_ =	shalt  }
0x3f: {  	_ =	shalt  }
0x40: {  	_ =	shalt  }
0x41: {  	_ =	shalt  }
0x42: {  	_ =	shalt  }
0x43: {  	_ =	shalt  }
0x44: {  	_ =	shalt  }
0x45: {  	_ =	shalt  }
0x46: {  	_ =	shalt  }
0x47: {  	_ =	shalt  }
0x48: {  	_ =	shalt  }
0x49: {  	_ =	shalt  }
0x4a: {  	_ =	shalt  }
0x4b: {  	_ =	shalt  }
0x4c: {  	_ =	shalt  }
0x4d: {  	_ =	shalt  }
0x4e: {  	_ =	shalt  }
0x4f: {  	_ =	shalt  }
0x50: {  	_ =	shalt  }
0x51: {  	_ =	shalt  }
0x52: {  	_ =	shalt  }
0x53: {  	_ =	shalt  }
0x54: {  	_ =	shalt  }
0x55: {  	_ =	shalt  }
0x56: {  	_ =	shalt  }
0x57: {  	_ =	shalt  }
0x58: {  	_ =	shalt  }
0x59: {  	_ =	shalt  }
0x5a: {  	_ =	shalt  }
0x5b: {  	_ =	shalt  }
0x5c: {  	_ =	shalt  }
0x5d: {  	_ =	shalt  }
0x5e: {  	_ =	shalt  }
0x5f: {  	_ =	shalt  }
0x60: {  	_ =	shalt  }
0x61: {  	_ =	shalt  }
0x62: {  	_ =	shalt  }
0x63: {  	_ =	shalt  }
0x64: {  	_ =	shalt  }
0x65: {  	_ =	shalt  }
0x66: {  	_ =	shalt  }
0x67: {  	_ =	shalt  }
0x68: {  	_ =	shalt  }
0x69: {  	_ =	shalt  }
0x6a: {  	_ =	shalt  }
0x6b: {  	_ =	shalt  }
0x6c: {  	_ =	shalt  }
0x6d: {  	_ =	shalt  }
0x6e: {  	_ =	shalt  }
0x6f: {  	_ =	shalt  }
0x70: {  	_ =	shalt  }
0x71: {  	_ =	shalt  }
0x72: {  	_ =	shalt  }
0x73: {  	_ =	shalt  }
0x74: {  	_ =	shalt  }
0x75: {  	_ =	shalt  }
0x76: {  	_ =	shalt  }
0x77: {  	_ =	shalt  }
0x78: {  	_ =	shalt  }
0x79: {  	_ =	shalt  }
0x7a: {  	_ =	shalt  }
0x7b: {  	_ =	shalt  }
0x7c: {  	_ =	shalt  }
0x7d: {  	_ =	shalt  }
0x7e: {  	_ =	shalt  }
0x7f: {  	_ =	shalt  }
0x80: {  	_ =	shalt  }
0x81: {  	_ =	shalt  }
0x82: {  	_ =	shalt  }
0x83: {  	_ =	shalt  }
0x84: {  	_ =	shalt  }
0x85: {  	_ =	shalt  }
0x86: {  	_ =	shalt  }
0x87: {  	_ =	shalt  }
.Lfunc_end0:
.L_simem_size_0:
called_computation_lowered:
.L_overlay_start_0:
0x88: {  	s2 =	sld [smem:$0x3FD9]  }
0x89: {  	s3 =	sld [smem:$0x3FFE];
	_ =	sdelay $0x1  }
0x8a: {  	s1 =	srdreg.scid  }
0x8b: {  	s0 =	sand.u32 $0x1, s1  }
0x8c: {  	s17 =	sshll.u32 s0, $0xA;
	s2 =	sadd.s32 s3, s2  }
0x8d: {  	s2 =	sadd.s32 s2, s17  }
0x8e: {  	[smem:$0x3FC0] =	sst s2  }
0x8f: {  	_ = 	snop  }
0x90: {  	s2 =	sld [smem:$0x3FD0];
	(tm) =	ssettm $0x1  }
0x91: {  	s18 =	sld [smem:$0x3FFB];
	_ =	sdelay $0x3  }
0x92: {  	_ =	strace s18  }
0x93: {  	s3 =	sld [smem:$0x3FFC];
	_ =	sdelay $0x3  }
0x94: {  	_ =	strace s3  }
0x95: {  	s3 =	sld [smem:$0x3FFD];
	_ =	sdelay $0x3  }
0x96: {  	_ =	strace s3  }
0x97: {  	_ =	strace $0x8FFFFFFF  }
0x98: {  	s19 =	sld [smem:$0x3FDB];
	_ =	sdelay $0x1  }
0x99: {  	s4 =	simm.s32 $_scs_section_size  }
0x9a: {  	s5 =	simm.s32 $_size__tile_overlayer_lowered;
	s6 =	simm.s32 $_tile_overlayer_lowered  }
0x9b: {  	s22 =	simm.s32 $0x1BFF;
	s21 =	sshll.u32 s6, $0x1;
	s3 =	sadd.s32 s4, s19  }
0x9c: {  	s7 =	simm.s32 $0x0;
	s20 =	sshll.u32 s5, $0x1;
	s5 =	sadd.s32 s21, s3  }
0x9d: {  	[timem:s7], [sflag:s22] =	dma.local [hbm:s5], s20  }
0x9e: {  	_ =	swait.ge [sflag:s22], s20  }
0x9f: {  	s4 =	ssub.s32 $0x0, s20;
	[sflag:s22] =	ssyncset.done $0x0  }
0xa0: {  	[sflag:s22] =	ssyncadd.s32 s4;
	_ =	sdelay $0x1  }
0xa1: {  	s23 =	simm.s32 $0x1B8B  }
0xa2: {  	_ =	swait.ge [sflag:s23], $0x1  }
0xa3: {  	[sflag:s23] =	ssyncset.done $0x0  }
0xa4: {  	s25 =	simm.s32 $0x1B8E;
	s24 =	sld [smem:$0x3FFE];
	[sflag:s23] =	ssyncadd.s32 $0xFFFFFFFF  }
0xa5: {  	s26 =	simm.s32 $execute0_lowered;
	[smem:$0x3FD2] =	sst s25  }
0xa6: {  	s5 =	sshll.u32 s26, $0x1;
	_ =	strace $0x80000046;
	[dreg:$0x1] =	wrdreg $0xFFFFFFFF  }
0xa7: {  	s28 =	simm.s32 $_size_execute0_lowered;
	s3 =	sadd.s32 s3, s5;
	[dreg:$0x0] =	wrdreg $0x0  }
0xa8: {  	s5 =	sshll.u32 s28, $0x1;
	[dreg:$0x2] =	wrdreg s3  }
0xa9: {  	[dreg:$0x3] =	wrdreg s5  }
0xaa: {  	[dreg:$0x4] =	wrdreg $0xC0  }
0xab: {  	_ =	task [dreg:s7], $0x5FFFF  }
0xac: {  	[dreg:$0x1] =	wrdreg $0xFFFFFFFF  }
0xad: {  	[dreg:$0x0] =	wrdreg $0x60  }
0xae: {  	[dreg:$0x2] =	wrdreg s24  }
0xaf: {  	[dreg:$0x3] =	wrdreg s2  }
0xb0: {  	[dreg:$0x4] =	wrdreg $0x9  }
0xb1: {  	_ =	task.clear_ibuf [dreg:s7], $0x5FFFF;
	_ =	strace $0x90000046  }
0xb2: {  	s29 =	simm.s32 $0x9;
	_ =	strace $0x80000048  }
0xb3: {  	_ =	swait.ge [sflag:s29], $0x1  }
0xb4: {  	[sflag:s29] =	ssyncadd.s32 $0xFFFFFFFF  }
0xb5: {  	_ =	strace $0x90000048  }
0xb6: {  	_ =	sfence  }
0xb7: {  	s30 =	sld [smem:$0x0];
	_ =	sdelay $0x2  }
0xb8: {  	s31 =	sshll.u32 s1, $0xD;
	s1 =	sshrl.u32 s1, $0x2  }
0xb9: {  	s3 =	sand.u32 $0x4000, s31;
	s1 =	sadd.s32 s1, s30  }
0xba: {  	s0 =	sor.u32 s3, s0;
	s1 =	sshll.u32 s1, $0x11  }
0xbb: {  	s0 =	sor.u32 s1, s0  }
0xbc: {  	s0 =	sadd.s32 $0x8F2B, s0  }
0xbd: {  	[sflag:s0] =	ssyncadd.remote.s32 $0x1  }
0xbe: {  	_ =	sfence.sel $0xFFFF  }
0xbf: {  	[dreg:$0x0] =	wrdreg $0xFFFFFFFF;
	(pc) =	sbr.abs _section_cstart, $3  }
0xc0: {  	[dreg:$0x1] =	wrdreg $0xFFFFFFFF  }
0xc1: {  	_ =	task.clear_ibuf [dreg:s7], $0x2FFFF;
	_ =	strace $0x9FFFFFFF  }
0xc2: {  	(tm) =	ssettm $0x7FFFFFFF  }
0xc3: {  	_ =	shalt  }
tec
execute0_lowered:
.L_overlay_start_1:
0x0: {  	(tag) =	ssettag $0x1  }
0x1: {  	s0 =	srdreg.scid  }
0x2: {  	s8 =	stileid.u32;
	s1 =	rddreg [dreg:$0x0]  }
0x3: {  	s4 =	rddreg [dreg:$0x1];
	s10 =	simm.s32 $0x3;
	s11 =	simm.s32 $0x80  }
0x4: {  	s12 =	simm.s32 $0x3400;
	s13 =	simm.s32 $0x4400;
	s15 =	simm.s32 $0x5400  }
0x5: {  	s17 =	simm.s32 $0x6400;
	s18 =	simm.s32 $0x7400;
	s19 =	simm.s32 $0x8400  }
0x6: {  	s20 =	simm.s32 $0x9400;
	s21 =	simm.s32 $0xA400;
	s22 =	simm.s32 $0x1  }
0x7: {  	s23 =	simm.s32 $0x2;
	s24 =	simm.s32 $0x3200;
	s25 =	simm.s32 $0x3280  }
0x8: {  	s26 =	simm.s32 $0x3300;
	s0 =	sand.u32 $0x1, s0;
	s2 =	sshll.u32 s8, $0x1  }
0x9: {  	s28 =	simm.s32 $0x3380;
	s8 =	smul.u32 $0xD0000, s8;
	s3 =	sor.u32 s0, s2  }
0xa: {  	s2 =	simm.s32 $0x0;
	s7 =	ssub.s32 $0x2, s0;
	s0 =	smul.u32 $0x68000, s0  }
0xb: {  	s29 =	simm.s32 $0x0;
	s5 =	smul.u32 $0x680, s3;
	[smem:$0x7FF] =	sst s2  }
0xc: {  	s6 =	smul.u32 $0x68000, s3;
	s3 =	sadd.s32 $0x27AD800, s1;
	s9 =	sshrl.u32 s7, $0x1  }
0xd: {  	s1 =	sadd.s32 $0x1400, s1;
	_ =	strace $0x80000047;
	s7 =	ssub.s32 s7, s9  }
0xe: {  	s0 =	sadd.s32 s0, s8;
	s6 =	sshrl.u32 s6, $0x3;
	s4 =	sadd.s32 s4, s5  }
0xf: {  	s5 =	smax.u32 s7, $0x1;
	s8 =	sor.u32 $0x4000, s0;
	s0 =	sshrl.u32 s0, $0x3  }
0x10: {  	s30 =	sadd.s32 s1, s6;
	s31 =	sshrl.u32 s8, $0x3;
	s8 =	sadd.s32 s0, s1  }
0x11: {  	s6 =	sadd.s32 $0xC000, s30;
	s7 =	sadd.s32 $0xC800, s30;
	s9 =	sadd.s32 s31, s1  }
.LBB2_1:
0x12: {  	[tilespmem:s2], [sflag:$0x3] =	stream.linear.gather [hbm4b:s4+s2], $0x3400, $0x38;
	[tilespmem:$0xB400] =	vst v63  }
0x13: {  	_ =	swait.ge [sflag:s10], $0x3400  }
0x14: {  	[sflag:s10] =	ssyncset.done $0x0  }
0x15: {  	[sflag:s10] =	ssyncadd.s32 $0xFFFFCC00  }
0x16: {  	[tilespmem:s12], [sflag:$0x1] =	stream.indirect.gather [hbm4b:s3+s11], $0x20, s2, s11, $0xb8;
	[tilespmem:$0xB400] =	vst v63  }
0x17: {  	_ = 	snop  }
0x18: {  	[tilespmem:s13], [sflag:$0x1] =	stream.indirect.gather [hbm4b:s3+s11], $0x20, s11, s11, $0xb8;
	[tilespmem:$0xB400] =	vst v63  }
0x19: {  	s0 =	simm.s32 $0x100  }
0x1a: {  	[tilespmem:s15], [sflag:$0x1] =	stream.indirect.gather [hbm4b:s3+s11], $0x20, s0, s11, $0xb8;
	[tilespmem:$0xB400] =	vst v63  }
0x1b: {  	s14 =	simm.s32 $0x180  }
0x1c: {  	[tilespmem:s17], [sflag:$0x1] =	stream.indirect.gather [hbm4b:s3+s11], $0x20, s14, s11, $0xb8;
	[tilespmem:$0xB400] =	vst v63  }
0x1d: {  	s16 =	simm.s32 $0x200  }
0x1e: {  	[tilespmem:s18], [sflag:$0x2] =	stream.indirect.gather [hbm4b:s3+s11], $0x20, s16, s11, $0xb8;
	[tilespmem:$0xB400] =	vst v63  }
0x1f: {  	s1 =	simm.s32 $0x280  }
0x20: {  	[tilespmem:s19], [sflag:$0x2] =	stream.indirect.gather [hbm4b:s3+s11], $0x20, s1, s11, $0xb8;
	[tilespmem:$0xB400] =	vst v63  }
0x21: {  	s14 =	simm.s32 $0x300  }
0x22: {  	[tilespmem:s20], [sflag:$0x2] =	stream.indirect.gather [hbm4b:s3+s11], $0x20, s14, s11, $0xb8;
	[tilespmem:$0xB400] =	vst v63  }
0x23: {  	s16 =	simm.s32 $0x380  }
0x24: {  	[tilespmem:s21], [sflag:$0x2] =	stream.indirect.gather [hbm4b:s3+s11], $0x20, s16, s11, $0xb8;
	[tilespmem:$0xB400] =	vst v63  }
0x25: {  	_ =	swait.ge [sflag:s22], $0x1000  }
0x26: {  	[sflag:s22] =	ssyncset.done $0x0  }
0x27: {  	[sflag:s22] =	ssyncadd.s32 $0xFFFFF000  }
0x28: {  	_ =	swait.ge [sflag:s22], $0x1000  }
0x29: {  	[sflag:s22] =	ssyncset.done $0x0  }
0x2a: {  	[sflag:s22] =	ssyncadd.s32 $0xFFFFF000  }
0x2b: {  	_ =	swait.ge [sflag:s22], $0x1000  }
0x2c: {  	[sflag:s22] =	ssyncset.done $0x0  }
0x2d: {  	[sflag:s22] =	ssyncadd.s32 $0xFFFFF000  }
0x2e: {  	_ =	swait.ge [sflag:s22], $0x1000  }
0x2f: {  	[sflag:s22] =	ssyncset.done $0x0  }
0x30: {  	s1 =	sadd.s32 $0x0, s8;
	[sflag:s22] =	ssyncadd.s32 $0xFFFFF000  }
0x31: {  	[hbm4b:s1+s2] =	stream.linear.scatter [tilespmem:s12], [sflag:$0x3], $0x4000, $0x38;
	[tilespmem:$0xB400] =	vst v63  }
0x32: {  	_ =	swait.ge [sflag:s10], $0x4000  }
0x33: {  	[sflag:s10] =	ssyncset.done $0x0  }
0x34: {  	s14 =	simm.s32 $0x400;
	[sflag:s10] =	ssyncadd.s32 $0xFFFFC000  }
0x35: {  	[tilespmem:s12], [sflag:$0x1] =	stream.indirect.gather [hbm4b:s3+s11], $0x20, s14, s11, $0xb8;
	[tilespmem:$0xB400] =	vst v63  }
0x36: {  	s16 =	simm.s32 $0x480  }
0x37: {  	[tilespmem:s13], [sflag:$0x1] =	stream.indirect.gather [hbm4b:s3+s11], $0x20, s16, s11, $0xb8;
	[tilespmem:$0xB400] =	vst v63  }
0x38: {  	s1 =	simm.s32 $0x500  }
0x39: {  	[tilespmem:s15], [sflag:$0x1] =	stream.indirect.gather [hbm4b:s3+s11], $0x20, s1, s11, $0xb8;
	[tilespmem:$0xB400] =	vst v63  }
0x3a: {  	s14 =	simm.s32 $0x580  }
0x3b: {  	[tilespmem:s17], [sflag:$0x1] =	stream.indirect.gather [hbm4b:s3+s11], $0x20, s14, s11, $0xb8;
	[tilespmem:$0xB400] =	vst v63  }
0x3c: {  	_ =	swait.ge [sflag:s23], $0x1000  }
0x3d: {  	[sflag:s23] =	ssyncset.done $0x0  }
0x3e: {  	[sflag:s23] =	ssyncadd.s32 $0xFFFFF000  }
0x3f: {  	_ =	swait.ge [sflag:s23], $0x1000  }
0x40: {  	[sflag:s23] =	ssyncset.done $0x0  }
0x41: {  	[sflag:s23] =	ssyncadd.s32 $0xFFFFF000  }
0x42: {  	_ =	swait.ge [sflag:s23], $0x1000  }
0x43: {  	[sflag:s23] =	ssyncset.done $0x0  }
0x44: {  	[sflag:s23] =	ssyncadd.s32 $0xFFFFF000  }
0x45: {  	_ =	swait.ge [sflag:s23], $0x1000  }
0x46: {  	[sflag:s23] =	ssyncset.done $0x0  }
0x47: {  	s16 =	sadd.s32 $0x0, s9;
	[sflag:s23] =	ssyncadd.s32 $0xFFFFF000  }
0x48: {  	[hbm4b:s16+s2] =	stream.linear.scatter [tilespmem:s18], [sflag:$0x3], $0x4000, $0x38;
	[tilespmem:$0xB400] =	vst v63  }
0x49: {  	s30 =	simm.s32 $0x1000;
	_ =	swait.ge [sflag:s10], $0x4000  }
0x4a: {  	s31 =	simm.s32 $0x400;
	s1 =	simm.s32 $0x2000;
	[sflag:s10] =	ssyncset.done $0x0  }
.LBB2_2:
0x4b: {  	s16 =	sadd.s32 $0x200, s31  }
0x4c: {  	[sflag:s10] =	ssyncadd.s32 $0xFFFFC000;
	s0 =	smov.u32 s1;
	s14 =	sadd.s32 $0x1000, s1  }
0x4d: {  	[tilespmem:s18], [sflag:$0x2] =	stream.indirect.gather [hbm4b:s3+s11], $0x20, s16, s11, $0xb8;
	[tilespmem:$0xB400] =	vst v63  }
0x4e: {  	p0 =	sne.s32 s1, $0xB000;
	s1 =	sadd.s32 $0x280, s31  }
0x4f: {  	[tilespmem:s19], [sflag:$0x2] =	stream.indirect.gather [hbm4b:s3+s11], $0x20, s1, s11, $0xb8;
	[tilespmem:$0xB400] =	vst v63  }
0x50: {  	s1 =	sadd.s32 $0x300, s31  }
0x51: {  	[tilespmem:s20], [sflag:$0x2] =	stream.indirect.gather [hbm4b:s3+s11], $0x20, s1, s11, $0xb8;
	[tilespmem:$0xB400] =	vst v63  }
0x52: {  	s1 =	sadd.s32 $0x380, s31  }
0x53: {  	[tilespmem:s21], [sflag:$0x2] =	stream.indirect.gather [hbm4b:s3+s11], $0x20, s1, s11, $0xb8;
	[tilespmem:$0xB400] =	vst v63  }
0x54: {  	_ =	swait.ge [sflag:s22], $0x1000  }
0x55: {  	[sflag:s22] =	ssyncset.done $0x0  }
0x56: {  	[sflag:s22] =	ssyncadd.s32 $0xFFFFF000  }
0x57: {  	_ =	swait.ge [sflag:s22], $0x1000  }
0x58: {  	[sflag:s22] =	ssyncset.done $0x0  }
0x59: {  	[sflag:s22] =	ssyncadd.s32 $0xFFFFF000  }
0x5a: {  	_ =	swait.ge [sflag:s22], $0x1000  }
0x5b: {  	[sflag:s22] =	ssyncset.done $0x0  }
0x5c: {  	[sflag:s22] =	ssyncadd.s32 $0xFFFFF000  }
0x5d: {  	_ =	swait.ge [sflag:s22], $0x1000  }
0x5e: {  	[sflag:s22] =	ssyncset.done $0x0  }
0x5f: {  	s1 =	sadd.s32 s30, s8;
	[sflag:s22] =	ssyncadd.s32 $0xFFFFF000  }
0x60: {  	[hbm4b:s1+s2] =	stream.linear.scatter [tilespmem:s12], [sflag:$0x3], $0x4000, $0x38;
	[tilespmem:$0xB400] =	vst v63  }
0x61: {  	_ =	swait.ge [sflag:s10], $0x4000  }
0x62: {  	[sflag:s10] =	ssyncset.done $0x0  }
0x63: {  	s1 =	sadd.s32 $0x400, s31;
	[sflag:s10] =	ssyncadd.s32 $0xFFFFC000  }
0x64: {  	[tilespmem:s12], [sflag:$0x1] =	stream.indirect.gather [hbm4b:s3+s11], $0x20, s1, s11, $0xb8;
	[tilespmem:$0xB400] =	vst v63  }
0x65: {  	s1 =	sadd.s32 $0x480, s31  }
0x66: {  	[tilespmem:s13], [sflag:$0x1] =	stream.indirect.gather [hbm4b:s3+s11], $0x20, s1, s11, $0xb8;
	[tilespmem:$0xB400] =	vst v63  }
0x67: {  	s1 =	sadd.s32 $0x500, s31  }
0x68: {  	[tilespmem:s15], [sflag:$0x1] =	stream.indirect.gather [hbm4b:s3+s11], $0x20, s1, s11, $0xb8;
	[tilespmem:$0xB400] =	vst v63  }
0x69: {  	s1 =	sadd.s32 $0x580, s31  }
0x6a: {  	[tilespmem:s17], [sflag:$0x1] =	stream.indirect.gather [hbm4b:s3+s11], $0x20, s1, s11, $0xb8;
	[tilespmem:$0xB400] =	vst v63  }
0x6b: {  	_ =	swait.ge [sflag:s23], $0x1000  }
0x6c: {  	[sflag:s23] =	ssyncset.done $0x0  }
0x6d: {  	[sflag:s23] =	ssyncadd.s32 $0xFFFFF000  }
0x6e: {  	_ =	swait.ge [sflag:s23], $0x1000  }
0x6f: {  	[sflag:s23] =	ssyncset.done $0x0  }
0x70: {  	[sflag:s23] =	ssyncadd.s32 $0xFFFFF000  }
0x71: {  	_ =	swait.ge [sflag:s23], $0x1000  }
0x72: {  	[sflag:s23] =	ssyncset.done $0x0  }
0x73: {  	[sflag:s23] =	ssyncadd.s32 $0xFFFFF000  }
0x74: {  	_ =	swait.ge [sflag:s23], $0x1000  }
.Ltmp0:
0x75: {  	[sflag:s23] =	ssyncset.done $0x0;
	(pc) =	sbr.rel @p0 .LBB2_2-.Ltmp0, $4  }
0x76: {  	s1 =	sadd.s32 s30, s9;
	s30 =	smov.u32 s0;
	[sflag:s23] =	ssyncadd.s32 $0xFFFFF000  }
0x77: {  	[hbm4b:s1+s2] =	stream.linear.scatter [tilespmem:s18], [sflag:$0x3], $0x4000, $0x38;
	[tilespmem:$0xB400] =	vst v63  }
0x78: {  	_ =	swait.ge [sflag:s10], $0x4000  }
0x79: {  	s31 =	sshra.s32 s30, $0x2;
	s1 =	smov.u32 s14;
	[sflag:s10] =	ssyncset.done $0x0  }
0x7a: {  	s0 =	sadd.s32 $0x200, s31;
	[sflag:s10] =	ssyncadd.s32 $0xFFFFC000  }
0x7b: {  	[tilespmem:s18], [sflag:$0x2] =	stream.indirect.gather [hbm4b:s3+s11], $0x20, s0, s11, $0xb8;
	[tilespmem:$0xB400] =	vst v63  }
0x7c: {  	s14 =	sadd.s32 $0x280, s31  }
0x7d: {  	[tilespmem:s19], [sflag:$0x2] =	stream.indirect.gather [hbm4b:s3+s11], $0x20, s14, s11, $0xb8;
	[tilespmem:$0xB400] =	vst v63  }
0x7e: {  	s16 =	sadd.s32 $0x300, s31  }
0x7f: {  	[tilespmem:s20], [sflag:$0x2] =	stream.indirect.gather [hbm4b:s3+s11], $0x20, s16, s11, $0xb8;
	[tilespmem:$0xB400] =	vst v63  }
0x80: {  	s1 =	sadd.s32 $0x380, s31  }
0x81: {  	[tilespmem:s21], [sflag:$0x2] =	stream.indirect.gather [hbm4b:s3+s11], $0x20, s1, s11, $0xb8;
	[tilespmem:$0xB400] =	vst v63  }
0x82: {  	_ =	swait.ge [sflag:s22], $0x1000  }
0x83: {  	[sflag:s22] =	ssyncset.done $0x0  }
0x84: {  	[sflag:s22] =	ssyncadd.s32 $0xFFFFF000  }
0x85: {  	_ =	swait.ge [sflag:s22], $0x1000  }
0x86: {  	[sflag:s22] =	ssyncset.done $0x0  }
0x87: {  	[sflag:s22] =	ssyncadd.s32 $0xFFFFF000  }
0x88: {  	_ =	swait.ge [sflag:s22], $0x1000  }
0x89: {  	[sflag:s22] =	ssyncset.done $0x0  }
0x8a: {  	[sflag:s22] =	ssyncadd.s32 $0xFFFFF000  }
0x8b: {  	_ =	swait.ge [sflag:s22], $0x1000  }
0x8c: {  	[sflag:s22] =	ssyncset.done $0x0  }
0x8d: {  	s14 =	sadd.s32 s30, s8;
	[sflag:s22] =	ssyncadd.s32 $0xFFFFF000  }
0x8e: {  	[hbm4b:s14+s2] =	stream.linear.scatter [tilespmem:s12], [sflag:$0x3], $0x4000, $0x38;
	[tilespmem:$0xB400] =	vst v63  }
0x8f: {  	_ =	swait.ge [sflag:s10], $0x4000  }
0x90: {  	[sflag:s10] =	ssyncset.done $0x0  }
0x91: {  	s16 =	sadd.s32 $0x400, s31;
	[sflag:s10] =	ssyncadd.s32 $0xFFFFC000  }
0x92: {  	[tilespmem:s12], [sflag:$0x1] =	stream.indirect.gather [hbm4b:s3+s11], $0x20, s16, s11, $0xb8;
	[tilespmem:$0xB400] =	vst v63  }
0x93: {  	s1 =	sadd.s32 $0x480, s31  }
0x94: {  	[tilespmem:s13], [sflag:$0x1] =	stream.indirect.gather [hbm4b:s3+s11], $0x20, s1, s11, $0xb8;
	[tilespmem:$0xB400] =	vst v63  }
0x95: {  	s14 =	sadd.s32 $0x500, s31  }
0x96: {  	[tilespmem:s15], [sflag:$0x1] =	stream.indirect.gather [hbm4b:s3+s11], $0x20, s14, s11, $0xb8;
	[tilespmem:$0xB400] =	vst v63  }
0x97: {  	s16 =	sadd.s32 $0x580, s31  }
0x98: {  	[tilespmem:s17], [sflag:$0x1] =	stream.indirect.gather [hbm4b:s3+s11], $0x20, s16, s11, $0xb8;
	[tilespmem:$0xB400] =	vst v63  }
0x99: {  	_ =	swait.ge [sflag:s23], $0x1000  }
0x9a: {  	[sflag:s23] =	ssyncset.done $0x0  }
0x9b: {  	[sflag:s23] =	ssyncadd.s32 $0xFFFFF000  }
0x9c: {  	_ =	swait.ge [sflag:s23], $0x1000  }
0x9d: {  	[sflag:s23] =	ssyncset.done $0x0  }
0x9e: {  	[sflag:s23] =	ssyncadd.s32 $0xFFFFF000  }
0x9f: {  	_ =	swait.ge [sflag:s23], $0x1000  }
0xa0: {  	[sflag:s23] =	ssyncset.done $0x0  }
0xa1: {  	[sflag:s23] =	ssyncadd.s32 $0xFFFFF000  }
0xa2: {  	_ =	swait.ge [sflag:s23], $0x1000  }
0xa3: {  	[sflag:s23] =	ssyncset.done $0x0  }
0xa4: {  	s31 =	sadd.s32 s30, s9;
	[sflag:s23] =	ssyncadd.s32 $0xFFFFF000  }
0xa5: {  	[hbm4b:s31+s2] =	stream.linear.scatter [tilespmem:s18], [sflag:$0x3], $0x4000, $0x38;
	[tilespmem:$0xB400] =	vst v63  }
0xa6: {  	_ =	swait.ge [sflag:s10], $0x4000  }
0xa7: {  	[sflag:s10] =	ssyncset.done $0x0  }
0xa8: {  	[sflag:s10] =	ssyncadd.s32 $0xFFFFC000  }
0xa9: {  	[tilespmem:s18], [sflag:$0x2] =	stream.indirect.gather [hbm4b:s3+s11], $0x20, s24, s11, $0xb8;
	[tilespmem:$0xB400] =	vst v63  }
0xaa: {  	_ = 	snop  }
0xab: {  	[tilespmem:s19], [sflag:$0x2] =	stream.indirect.gather [hbm4b:s3+s11], $0x20, s25, s11, $0xb8;
	[tilespmem:$0xB400] =	vst v63  }
0xac: {  	_ = 	snop  }
0xad: {  	[tilespmem:s20], [sflag:$0x2] =	stream.indirect.gather [hbm4b:s3+s11], $0x20, s26, s11, $0xb8;
	[tilespmem:$0xB400] =	vst v63  }
0xae: {  	_ = 	snop  }
0xaf: {  	[tilespmem:s21], [sflag:$0x2] =	stream.indirect.gather [hbm4b:s3+s11], $0x20, s28, s11, $0xb8;
	[tilespmem:$0xB400] =	vst v63  }
0xb0: {  	_ =	swait.ge [sflag:s22], $0x1000  }
0xb1: {  	[sflag:s22] =	ssyncset.done $0x0  }
0xb2: {  	[sflag:s22] =	ssyncadd.s32 $0xFFFFF000  }
0xb3: {  	_ =	swait.ge [sflag:s22], $0x1000  }
0xb4: {  	[sflag:s22] =	ssyncset.done $0x0  }
0xb5: {  	[sflag:s22] =	ssyncadd.s32 $0xFFFFF000  }
0xb6: {  	_ =	swait.ge [sflag:s22], $0x1000  }
0xb7: {  	[sflag:s22] =	ssyncset.done $0x0  }
0xb8: {  	[sflag:s22] =	ssyncadd.s32 $0xFFFFF000  }
0xb9: {  	_ =	swait.ge [sflag:s22], $0x1000  }
0xba: {  	[sflag:s22] =	ssyncset.done $0x0  }
0xbb: {  	[sflag:s22] =	ssyncadd.s32 $0xFFFFF000  }
0xbc: {  	[hbm4b:s6+s2] =	stream.linear.scatter [tilespmem:s12], [sflag:$0x3], $0x4000, $0x38;
	[tilespmem:$0xB400] =	vst v63  }
0xbd: {  	_ =	swait.ge [sflag:s10], $0x4000  }
0xbe: {  	[sflag:s10] =	ssyncset.done $0x0  }
0xbf: {  	[sflag:s10] =	ssyncadd.s32 $0xFFFFC000  }
0xc0: {  	_ =	swait.ge [sflag:s23], $0x1000  }
0xc1: {  	[sflag:s23] =	ssyncset.done $0x0  }
0xc2: {  	[sflag:s23] =	ssyncadd.s32 $0xFFFFF000  }
0xc3: {  	_ =	swait.ge [sflag:s23], $0x1000  }
0xc4: {  	[sflag:s23] =	ssyncset.done $0x0  }
0xc5: {  	[sflag:s23] =	ssyncadd.s32 $0xFFFFF000  }
0xc6: {  	_ =	swait.ge [sflag:s23], $0x1000  }
0xc7: {  	[sflag:s23] =	ssyncset.done $0x0  }
0xc8: {  	[sflag:s23] =	ssyncadd.s32 $0xFFFFF000  }
0xc9: {  	s29 =	sadd.s32 $0x1, s29;
	_ =	swait.ge [sflag:s23], $0x1000  }
0xca: {  	p0 =	sne.s32 s29, s5;
	[sflag:s23] =	ssyncset.done $0x0  }
.Ltmp1:
0xcb: {  	[sflag:s23] =	ssyncadd.s32 $0xFFFFF000;
	(pc) =	sbr.rel @p0 .LBB2_1-.Ltmp1, $4  }
0xcc: {  	[hbm4b:s7+s2] =	stream.linear.scatter [tilespmem:s18], [sflag:$0x3], $0x4000, $0x38;
	[tilespmem:$0xB400] =	vst v63  }
0xcd: {  	_ =	swait.ge [sflag:s10], $0x4000  }
0xce: {  	[sflag:s10] =	ssyncset.done $0x0  }
0xcf: {  	[sflag:s10] =	ssyncadd.s32 $0xFFFFC000  }
0xd0: {  	_ =	sfence.sel $0x180000  }
0xd1: {  	[bflag:$0x0] =	sbarrier.arrive $0xFFFF  }
0xd2: {  	_ =	strace $0x90000047  }
0xd3: {  	s0 =	stileid.u32;
	[bflag:$0x2] =	sbarrier.arrive $0xFFFF  }
0xd4: {  	p0 =	sne.s32 s0, $0x0;
	s0 =	rddreg [dreg:$0x2]  }
0xd5: {  	s0 =	sadd.s32 @!p0 $0x100000, s0  }
0xd6: {  	[sflag:s0] =	ssyncadd.tile.s32 @!p0 $0x1;
	_ =	shalt  }
.Lfunc_end2:
_tile_overlayer_lowered:
.L_overlay_start_2:
0xd7: {  	(tag) =	ssettag $0x2  }
0xd8: {  	s0 =	rddreg [dreg:$0x0];
	s2 =	stileid.u32  }
0xd9: {  	s1 =	rddreg [dreg:$0x1];
	p0 =	sne.s32 s2, $0x0  }
0xda: {  	s3 =	rddreg [dreg:$0x2];
	[bflag:$0x3] =	sbarrier.arrive $0xFFFF;
	s2 =	simm.s32 @!p0 $0x1C03  }
0xdb: {  	[timem:s3], [sflag:s2] =	dma.local @!p0 [hbm:s0], s1  }
0xdc: {  	s0 =	simm.s32 @!p0 $0x3  }
0xdd: {  	_ =	swait.ge @!p0 [sflag:s0], s1  }
0xde: {  	s1 =	ssub.s32 @!p0 $0x0, s1;
	[sflag:s0] =	ssyncset.done @!p0 $0x0  }
0xdf: {  	[sflag:s0] =	ssyncadd.s32 @!p0 s1  }
0xe0: {  	[bflag:$0x3] =	sbarrier.arrive $0xFFFF  }
0xe1: {  	_ =	shalt  }

</sc_bundles>
